<compile_context>
chip_gen: v7x
topology: tpu7x:2x2x1
jax: 0.10.2.dev20260603
libtpu: 0.0.44.dev20260713+nightly
codegen_flags: <defaults>
</compile_context>

<pallas_src>
import functools

import jax
import jax.numpy as jnp
from jax import lax
from jax.experimental import pallas as pl
from jax.experimental.pallas import tpu as pltpu
from jax.experimental.pallas import tpu_sc as plsc

_NC = 2
_NS = 16
_W = _NC * _NS
_CB = 11


def _rsqrt(x):
    i = lax.bitcast_convert_type(x, jnp.int32)
    i = jnp.int32(0x5F3759DF) - (i >> 1)
    y = lax.bitcast_convert_type(i, jnp.float32)
    for _ in range(3):
        y = y * (1.5 - 0.5 * x * y * y)
    return y


@functools.partial(jax.jit, static_argnums=(2,))
def _run(coords4, eidx2, E):
    NB = E // 128
    per_w = NB // _W
    n_extra = NB - per_w * _W
    NCH = per_w // _CB
    assert NCH * _CB == per_w and NCH % 2 == 0 and n_extra < _W

    mesh = plsc.VectorSubcoreMesh(core_axis_name="c", subcore_axis_name="s")

    @functools.partial(
        pl.kernel,
        out_type=[
            jax.ShapeDtypeStruct((E,), jnp.float32),
            jax.ShapeDtypeStruct((NB * 512,), jnp.float32),
        ],
        mesh=mesh,
        scratch_types=[
            pltpu.VMEM((2 * _CB, 128), jnp.int32),
            pltpu.VMEM((2 * _CB, 128), jnp.int32),
            pltpu.VMEM((_CB * 256, 4), jnp.float32),
            pltpu.VMEM((_CB * 256, 4), jnp.float32),
            pltpu.VMEM((_CB * 512,), jnp.float32),
            pltpu.VMEM((_CB * 512,), jnp.float32),
            pltpu.VMEM((_CB * 128,), jnp.float32),
            pltpu.VMEM((_CB * 128,), jnp.float32),
            pltpu.SemaphoreType.DMA,
            pltpu.SemaphoreType.DMA,
            pltpu.SemaphoreType.DMA,
            pltpu.SemaphoreType.DMA,
        ],
        compiler_params=pltpu.CompilerParams(
            use_tc_tiling_on_sc=False, needs_layout_passes=False
        ),
    )
    def k(coords_hbm, eidx_hbm, norm_hbm, vec_hbm,
          idx_a, idx_b, rows_a, rows_b, vec_a, vec_b, nrm_a, nrm_b,
          gsem_a, gsem_b, osem_a, osem_b):
        wid = lax.axis_index("s") * _NC + lax.axis_index("c")
        start_w = wid * per_w + jnp.minimum(wid, n_extra)

        lanes = lax.iota(jnp.int32, 16)
        c0 = jnp.zeros((16,), jnp.int32)
        c1 = c0 + 1
        c2 = c0 + 2

        def load_idx(t, idx_v):
            gb = start_w + t * _CB
            pltpu.sync_copy(eidx_hbm.at[pl.ds(2 * gb, 2 * _CB)], idx_v)

        def fire_gathers(idx_v, rows_v, gsem):
            def fire(r, c):
                pltpu.async_copy(
                    coords_hbm.at[idx_v.at[r]],
                    rows_v.at[pl.ds(r * 128, 128)],
                    gsem,
                )
                return c

            lax.fori_loop(0, 2 * _CB, fire, 0)

        def drain_gathers(idx_v, rows_v, gsem):
            def drain(r, c):
                pltpu.make_async_copy(
                    coords_hbm.at[idx_v.at[r]],
                    rows_v.at[pl.ds(r * 128, 128)],
                    gsem,
                ).wait()
                return c

            lax.fori_loop(0, 2 * _CB, drain, 0)

        def compute(rows_v, vec_v, nrm_v, n_blocks):
            def grp(gi, c):
                b = gi >> 3
                m = gi & 7
                row_s = lanes + (b * 256 + m * 16)
                row_d = row_s + 128
                sx = plsc.load_gather(rows_v, [row_s, c0])
                sy = plsc.load_gather(rows_v, [row_s, c1])
                sz = plsc.load_gather(rows_v, [row_s, c2])
                dx = plsc.load_gather(rows_v, [row_d, c0])
                dy = plsc.load_gather(rows_v, [row_d, c1])
                dz = plsc.load_gather(rows_v, [row_d, c2])
                fx = sx - dx
                fy = sy - dy
                fz = sz - dz
                ss = fx * fx + fy * fy + fz * fz + 1e-6
                r = _rsqrt(ss)
                nrm = ss * r
                inv = 1.0 / (nrm + 1.0)
                o = b * 512 + m * 16
                vec_v[pl.ds(o, 16)] = fx * inv
                vec_v[pl.ds(o + 128, 16)] = fy * inv
                vec_v[pl.ds(o + 256, 16)] = fz * inv
                nrm_v[pl.ds(b * 128 + m * 16, 16)] = nrm
                return c

            lax.fori_loop(0, 8 * n_blocks, grp, 0)

        def out_dma(t, vec_v, nrm_v, osem):
            gb = start_w + t * _CB
            pltpu.async_copy(vec_v, vec_hbm.at[pl.ds(512 * gb, 512 * _CB)], osem)
            pltpu.async_copy(nrm_v, norm_hbm.at[pl.ds(128 * gb, 128 * _CB)], osem)

        def out_wait(t, vec_v, nrm_v, osem):
            gb = start_w + t * _CB
            pltpu.make_async_copy(
                vec_v, vec_hbm.at[pl.ds(512 * gb, 512 * _CB)], osem
            ).wait()
            pltpu.make_async_copy(
                nrm_v, norm_hbm.at[pl.ds(128 * gb, 128 * _CB)], osem
            ).wait()

        load_idx(0, idx_a)
        fire_gathers(idx_a, rows_a, gsem_a)

        def pair(u, c):
            t0 = 2 * u
            load_idx(t0 + 1, idx_b)
            fire_gathers(idx_b, rows_b, gsem_b)
            drain_gathers(idx_a, rows_a, gsem_a)
            compute(rows_a, vec_a, nrm_a, _CB)
            out_dma(t0, vec_a, nrm_a, osem_a)
            @pl.when(u + 1 < NCH // 2)
            def _():
                load_idx(t0 + 2, idx_a)
                fire_gathers(idx_a, rows_a, gsem_a)
            drain_gathers(idx_b, rows_b, gsem_b)
            compute(rows_b, vec_b, nrm_b, _CB)
            out_dma(t0 + 1, vec_b, nrm_b, osem_b)
            out_wait(t0, vec_a, nrm_a, osem_a)
            out_wait(t0 + 1, vec_b, nrm_b, osem_b)
            return c

        lax.fori_loop(0, NCH // 2, pair, 0)

        @pl.when(wid < n_extra)
        def _():
            gb = start_w + per_w
            pltpu.sync_copy(eidx_hbm.at[pl.ds(2 * gb, 2)],
                            idx_a.at[pl.ds(0, 2)])
            fire2 = pltpu.async_copy(
                coords_hbm.at[idx_a.at[0]], rows_a.at[pl.ds(0, 128)], gsem_a
            )
            fire3 = pltpu.async_copy(
                coords_hbm.at[idx_a.at[1]], rows_a.at[pl.ds(128, 128)], gsem_a
            )
            fire2.wait()
            fire3.wait()
            compute(rows_a, vec_a, nrm_a, 1)
            pltpu.sync_copy(vec_a.at[pl.ds(0, 512)],
                            vec_hbm.at[pl.ds(512 * gb, 512)])
            pltpu.sync_copy(nrm_a.at[pl.ds(0, 128)],
                            norm_hbm.at[pl.ds(128 * gb, 128)])

    return k(coords4, eidx2)


def kernel(coords, edge_index):
    E = edge_index.shape[0]
    NB = E // 128
    coords4 = jnp.pad(coords, ((0, 0), (0, 1)))
    eidx2 = edge_index.reshape(NB, 128, 2).transpose(0, 2, 1).reshape(2 * NB, 128)
    norm_flat, vec_flat = _run(coords4, eidx2, E)
    vecs = vec_flat.reshape(NB, 4, 128).transpose(0, 2, 1).reshape(E, 4)[:, :3]
    return norm_flat[:, None], vecs

# --- scband reference (transcript-rebuilt; emitter-appended) ---
"""Pipeline reference for scband-coords-11922829214321 (READ-ONLY COPY).

The authoritative reference and input builder live on the scoring server;
editing this copy changes nothing except your own understanding.
"""

import jax, jax.numpy as jnp
import numpy as np

N_NODES = 100000
N_EDGES = 6400000
COORD_DIM = 3
NORM_CONSTANT = 1.0


def setup_inputs(seed: int = 0) -> dict:
    key = jax.random.key(seed)
    k1, k2 = jax.random.split(key)
    coords = jax.random.normal(k1, (N_NODES, COORD_DIM), dtype=jnp.float32)
    edge_index = jax.random.randint(k2, (N_EDGES, 2), 0, N_NODES, dtype=jnp.int64)
    return {"coords": coords, "edge_index": edge_index}


def reference(coords, edge_index):
    # tf.gather(coords, edge_index) with edge_index [E, 2] -> [E, 2, D]
    coords_ = jnp.take(coords, edge_index, axis=0)
    vectors = coords_[:, 0] - coords_[:, 1]
    squares = jnp.abs(jnp.sum(vectors ** 2, axis=-1))
    norm = jnp.sqrt(squares + 1e-06)[:, None]
    vectors = vectors / (norm + NORM_CONSTANT)
    return (norm, vectors)

if __name__ == "__main__":
    import jax
    _d = setup_inputs()
    print(jax.jit(kernel)(*tuple(_d.values())))

</pallas_src>

<mosaic_0001>
#map = affine_map<(d0, d1) -> (0, 0)>
#map1 = affine_map<(d0, d1) -> (0)>
module attributes {stable_mosaic.version = 14 : i64} {
  func.func @k(%arg0: i32, %arg1: i32, %arg2: memref<100000x4xf32, #tpu.memory_space<hbm>>, %arg3: memref<100000x128xi32, #tpu.memory_space<hbm>>, %arg4: memref<6400000xf32, #tpu.memory_space<hbm>>, %arg5: memref<25600000xf32, #tpu.memory_space<hbm>>, %arg6: memref<22x128xi32, #tpu.memory_space<vmem>>, %arg7: memref<22x128xi32, #tpu.memory_space<vmem>>, %arg8: memref<2816x4xf32, #tpu.memory_space<vmem>>, %arg9: memref<2816x4xf32, #tpu.memory_space<vmem>>, %arg10: memref<5632xf32, #tpu.memory_space<vmem>>, %arg11: memref<5632xf32, #tpu.memory_space<vmem>>, %arg12: memref<1408xf32, #tpu.memory_space<vmem>>, %arg13: memref<1408xf32, #tpu.memory_space<vmem>>, %arg14: memref<!tpu.dma_semaphore, #tpu.memory_space<semaphore_mem>>, %arg15: memref<!tpu.dma_semaphore, #tpu.memory_space<semaphore_mem>>, %arg16: memref<!tpu.dma_semaphore, #tpu.memory_space<semaphore_mem>>, %arg17: memref<!tpu.dma_semaphore, #tpu.memory_space<semaphore_mem>>) attributes {dimension_semantics = [#tpu.dimension_semantics<core_parallel>, #tpu.dimension_semantics<subcore_parallel>], iteration_bounds = array<i64: 2, 16>, scalar_prefetch = 0 : i64, scratch_operands = 12 : i64, tpu.core_type = #tpu.core_type<sc_vector_subcore>, window_params = [{transform_indices = #map}, {transform_indices = #map}, {transform_indices = #map1}, {transform_indices = #map1}]} {
    %mul3A = arith.constant 2 : i32
    %mul3A_0 = arith.muli %arg1, %mul3A : i32
    %add3A = arith.addi %mul3A_0, %arg0 : i32
    %mul3A_1 = arith.constant 1562 : i32
    %mul3A_2 = arith.muli %add3A, %mul3A_1 : i32
    %min3A = arith.constant 16 : i32
    %min3A_3 = arith.minsi %add3A, %min3A : i32
    %add3A_4 = arith.addi %mul3A_2, %min3A_3 : i32
    %iota3A = tpu.iota {dimensions = array<i32: 0>} : vector<16xi32>
    %broadcast_in_dim3A = arith.constant 0 : i32
    %broadcast_in_dim3A_5 = vector.broadcast %broadcast_in_dim3A : i32 to vector<16xi32>
    %add3A_6 = arith.constant 1 : i32
    %add3A_7 = vector.broadcast %add3A_6 : i32 to vector<16xi32>
    %add3A_8 = arith.addi %broadcast_in_dim3A_5, %add3A_7 : vector<16xi32>
    %add3A_9 = arith.constant 2 : i32
    %add3A_10 = vector.broadcast %add3A_9 : i32 to vector<16xi32>
    %add3A_11 = arith.addi %broadcast_in_dim3A_5, %add3A_10 : vector<16xi32>
    %add3A_12 = arith.constant 0 : i32
    %add3A_13 = arith.addi %add3A_4, %add3A_12 : i32
    %mul3A_14 = arith.constant 2 : i32
    %mul3A_15 = arith.muli %mul3A_14, %add3A_13 : i32
    "tpu.region"() ({
      %run_scoped3A = tpu.sem_alloc : memref<!tpu.dma_semaphore, #tpu.memory_space<semaphore_mem>>
      %dma_start3A = arith.constant 0 : i32
      %dma_start3A_29 = tpu.memref_slice %arg3[%mul3A_15, %dma_start3A] : memref<100000x128xi32, #tpu.memory_space<hbm>> -> memref<22x128xi32, #tpu.memory_space<hbm>>
      %dma_start3A_30 = arith.constant 0 : i32
      %dma_start3A_31 = tpu.memref_slice %arg3[%mul3A_15, %dma_start3A_30] : memref<100000x128xi32, #tpu.memory_space<hbm>> -> memref<22x128xi32, #tpu.memory_space<hbm>>
      tpu.enqueue_dma source(%dma_start3A_31 : memref<22x128xi32, #tpu.memory_space<hbm>>) target(%arg6 : memref<22x128xi32, #tpu.memory_space<vmem>>) target_semaphore(%run_scoped3A : memref<!tpu.dma_semaphore, #tpu.memory_space<semaphore_mem>>)
      %dma_wait3A = arith.constant 0 : i32
      %dma_wait3A_32 = tpu.memref_slice %arg3[%mul3A_15, %dma_wait3A] : memref<100000x128xi32, #tpu.memory_space<hbm>> -> memref<22x128xi32, #tpu.memory_space<hbm>>
      %dma_wait3A_33 = arith.constant 0 : i32
      %dma_wait3A_34 = tpu.memref_slice %arg3[%mul3A_15, %dma_wait3A_33] : memref<100000x128xi32, #tpu.memory_space<hbm>> -> memref<22x128xi32, #tpu.memory_space<hbm>>
      tpu.wait_dma2 semaphore(%run_scoped3A : memref<!tpu.dma_semaphore, #tpu.memory_space<semaphore_mem>>) src(%dma_wait3A_34 : memref<22x128xi32, #tpu.memory_space<hbm>>) dst(%arg6 : memref<22x128xi32, #tpu.memory_space<vmem>>)
      tpu.yield
    }) : () -> ()
    %scan3A = arith.constant 0 : i32
    %scan3A_16 = arith.constant 0 : i32
    %scan3A_17 = arith.constant 22 : i32
    %scan3A_18 = arith.addi %scan3A_16, %scan3A_17 : i32
    %scan3A_19 = arith.constant 1 : i32
    scf.for %scan3A_29 = %scan3A_16 to %scan3A_18 step %scan3A_19  : i32 {
      %mul3A_30 = arith.constant 128 : i32
      %mul3A_31 = arith.muli %scan3A_29, %mul3A_30 : i32
      %dma_start3A = arith.constant 0 : i32
      %dma_start3A_32 = tpu.memref_slice %arg8[%mul3A_31, %dma_start3A] : memref<2816x4xf32, #tpu.memory_space<vmem>> -> memref<128x4xf32, #tpu.memory_space<vmem>>
      %dma_start3A_33 = arith.constant 0 : i32
      %dma_start3A_34 = tpu.memref_slice %arg6[%scan3A_29, %dma_start3A_33] : memref<22x128xi32, #tpu.memory_space<vmem>> -> memref<1x128xi32, #tpu.memory_space<vmem>>
      %dma_start3A_35 = tpu.memref_squeeze %dma_start3A_34 : memref<1x128xi32, #tpu.memory_space<vmem>> -> memref<128xi32, #tpu.memory_space<vmem>>
      %dma_start3A_36 = arith.constant 0 : i32
      %dma_start3A_37 = arith.constant 0 : i32
      %dma_start3A_38 = tpu.memref_slice %arg2[%dma_start3A_36, %dma_start3A_37] : memref<100000x4xf32, #tpu.memory_space<hbm>> -> memref<100000x4xf32, #tpu.memory_space<hbm>>
      tpu.enqueue_indirect_dma source(%dma_start3A_38 : memref<100000x4xf32, #tpu.memory_space<hbm>>) target(%dma_start3A_32 : memref<128x4xf32, #tpu.memory_space<vmem>>) offsets(%dma_start3A_35 : memref<128xi32, #tpu.memory_space<vmem>>) semaphore(%arg14 : memref<!tpu.dma_semaphore, #tpu.memory_space<semaphore_mem>>)
    }
    %scan3A_20 = arith.constant 22 : i32
    %scan3A_21 = arith.constant 0 : i32
    %scan3A_22 = arith.constant 0 : i32
    %scan3A_23 = arith.constant 71 : i32
    %scan3A_24 = arith.addi %scan3A_22, %scan3A_23 : i32
    %scan3A_25 = arith.constant 1 : i32
    scf.for %scan3A_29 = %scan3A_22 to %scan3A_24 step %scan3A_25  : i32 {
      %mul3A_30 = arith.constant 2 : i32
      %mul3A_31 = arith.muli %mul3A_30, %scan3A_29 : i32
      %add3A_32 = arith.constant 1 : i32
      %add3A_33 = arith.addi %mul3A_31, %add3A_32 : i32
      %mul3A_34 = arith.constant 11 : i32
      %mul3A_35 = arith.muli %add3A_33, %mul3A_34 : i32
      %add3A_36 = arith.addi %add3A_4, %mul3A_35 : i32
      %mul3A_37 = arith.constant 2 : i32
      %mul3A_38 = arith.muli %mul3A_37, %add3A_36 : i32
      "tpu.region"() ({
        %run_scoped3A = tpu.sem_alloc : memref<!tpu.dma_semaphore, #tpu.memory_space<semaphore_mem>>
        %dma_start3A_122 = arith.constant 0 : i32
        %dma_start3A_123 = tpu.memref_slice %arg3[%mul3A_38, %dma_start3A_122] : memref<100000x128xi32, #tpu.memory_space<hbm>> -> memref<22x128xi32, #tpu.memory_space<hbm>>
        %dma_start3A_124 = arith.constant 0 : i32
        %dma_start3A_125 = tpu.memref_slice %arg3[%mul3A_38, %dma_start3A_124] : memref<100000x128xi32, #tpu.memory_space<hbm>> -> memref<22x128xi32, #tpu.memory_space<hbm>>
        tpu.enqueue_dma source(%dma_start3A_125 : memref<22x128xi32, #tpu.memory_space<hbm>>) target(%arg7 : memref<22x128xi32, #tpu.memory_space<vmem>>) target_semaphore(%run_scoped3A : memref<!tpu.dma_semaphore, #tpu.memory_space<semaphore_mem>>)
        %dma_wait3A_126 = arith.constant 0 : i32
        %dma_wait3A_127 = tpu.memref_slice %arg3[%mul3A_38, %dma_wait3A_126] : memref<100000x128xi32, #tpu.memory_space<hbm>> -> memref<22x128xi32, #tpu.memory_space<hbm>>
        %dma_wait3A_128 = arith.constant 0 : i32
        %dma_wait3A_129 = tpu.memref_slice %arg3[%mul3A_38, %dma_wait3A_128] : memref<100000x128xi32, #tpu.memory_space<hbm>> -> memref<22x128xi32, #tpu.memory_space<hbm>>
        tpu.wait_dma2 semaphore(%run_scoped3A : memref<!tpu.dma_semaphore, #tpu.memory_space<semaphore_mem>>) src(%dma_wait3A_129 : memref<22x128xi32, #tpu.memory_space<hbm>>) dst(%arg7 : memref<22x128xi32, #tpu.memory_space<vmem>>)
        tpu.yield
      }) : () -> ()
      %scan3A_39 = arith.constant 0 : i32
      %scan3A_40 = arith.constant 0 : i32
      %scan3A_41 = arith.constant 22 : i32
      %scan3A_42 = arith.addi %scan3A_40, %scan3A_41 : i32
      %scan3A_43 = arith.constant 1 : i32
      scf.for %scan3A_122 = %scan3A_40 to %scan3A_42 step %scan3A_43  : i32 {
        %mul3A_123 = arith.constant 128 : i32
        %mul3A_124 = arith.muli %scan3A_122, %mul3A_123 : i32
        %dma_start3A_125 = arith.constant 0 : i32
        %dma_start3A_126 = tpu.memref_slice %arg9[%mul3A_124, %dma_start3A_125] : memref<2816x4xf32, #tpu.memory_space<vmem>> -> memref<128x4xf32, #tpu.memory_space<vmem>>
        %dma_start3A_127 = arith.constant 0 : i32
        %dma_start3A_128 = tpu.memref_slice %arg7[%scan3A_122, %dma_start3A_127] : memref<22x128xi32, #tpu.memory_space<vmem>> -> memref<1x128xi32, #tpu.memory_space<vmem>>
        %dma_start3A_129 = tpu.memref_squeeze %dma_start3A_128 : memref<1x128xi32, #tpu.memory_space<vmem>> -> memref<128xi32, #tpu.memory_space<vmem>>
        %dma_start3A_130 = arith.constant 0 : i32
        %dma_start3A_131 = arith.constant 0 : i32
        %dma_start3A_132 = tpu.memref_slice %arg2[%dma_start3A_130, %dma_start3A_131] : memref<100000x4xf32, #tpu.memory_space<hbm>> -> memref<100000x4xf32, #tpu.memory_space<hbm>>
        tpu.enqueue_indirect_dma source(%dma_start3A_132 : memref<100000x4xf32, #tpu.memory_space<hbm>>) target(%dma_start3A_126 : memref<128x4xf32, #tpu.memory_space<vmem>>) offsets(%dma_start3A_129 : memref<128xi32, #tpu.memory_space<vmem>>) semaphore(%arg15 : memref<!tpu.dma_semaphore, #tpu.memory_space<semaphore_mem>>)
      }
      %scan3A_44 = arith.constant 22 : i32
      %scan3A_45 = arith.constant 0 : i32
      %scan3A_46 = arith.constant 0 : i32
      %scan3A_47 = arith.constant 22 : i32
      %scan3A_48 = arith.addi %scan3A_46, %scan3A_47 : i32
      %scan3A_49 = arith.constant 1 : i32
      scf.for %scan3A_122 = %scan3A_46 to %scan3A_48 step %scan3A_49  : i32 {
        %mul3A_123 = arith.constant 128 : i32
        %mul3A_124 = arith.muli %scan3A_122, %mul3A_123 : i32
        %dma_wait3A_125 = arith.constant 0 : i32
        %dma_wait3A_126 = tpu.memref_slice %arg8[%mul3A_124, %dma_wait3A_125] : memref<2816x4xf32, #tpu.memory_space<vmem>> -> memref<128x4xf32, #tpu.memory_space<vmem>>
        %dma_wait3A_127 = arith.constant 0 : i32
        %dma_wait3A_128 = tpu.memref_slice %arg6[%scan3A_122, %dma_wait3A_127] : memref<22x128xi32, #tpu.memory_space<vmem>> -> memref<1x128xi32, #tpu.memory_space<vmem>>
        %dma_wait3A_129 = tpu.memref_squeeze %dma_wait3A_128 : memref<1x128xi32, #tpu.memory_space<vmem>> -> memref<128xi32, #tpu.memory_space<vmem>>
        %dma_wait3A_130 = arith.constant 0 : i32
        %dma_wait3A_131 = arith.constant 0 : i32
        %dma_wait3A_132 = tpu.memref_slice %arg2[%dma_wait3A_130, %dma_wait3A_131] : memref<100000x4xf32, #tpu.memory_space<hbm>> -> memref<100000x4xf32, #tpu.memory_space<hbm>>
        tpu.wait_indirect_dma semaphore(%arg14 : memref<!tpu.dma_semaphore, #tpu.memory_space<semaphore_mem>>) src(%dma_wait3A_132 : memref<100000x4xf32, #tpu.memory_space<hbm>>) dst(%dma_wait3A_126 : memref<128x4xf32, #tpu.memory_space<vmem>>)
      }
      %scan3A_50 = arith.constant 22 : i32
      %scan3A_51 = arith.constant 0 : i32
      %scan3A_52 = arith.constant 0 : i32
      %scan3A_53 = arith.constant 88 : i32
      %scan3A_54 = arith.addi %scan3A_52, %scan3A_53 : i32
      %scan3A_55 = arith.constant 1 : i32
      scf.for %scan3A_122 = %scan3A_52 to %scan3A_54 step %scan3A_55  : i32 {
        %shift_right_arithmetic3A = arith.constant 3 : i32
        %shift_right_arithmetic3A_123 = arith.shrsi %scan3A_122, %shift_right_arithmetic3A : i32
        %and3A = arith.constant 7 : i32
        %and3A_124 = arith.andi %scan3A_122, %and3A : i32
        %mul3A_125 = arith.constant 256 : i32
        %mul3A_126 = arith.muli %shift_right_arithmetic3A_123, %mul3A_125 : i32
        %mul3A_127 = arith.constant 16 : i32
        %mul3A_128 = arith.muli %and3A_124, %mul3A_127 : i32
        %add3A_129 = arith.addi %mul3A_126, %mul3A_128 : i32
        %add3A_130 = vector.broadcast %add3A_129 : i32 to vector<16xi32>
        %add3A_131 = arith.addi %iota3A, %add3A_130 : vector<16xi32>
        %add3A_132 = arith.constant 128 : i32
        %add3A_133 = vector.broadcast %add3A_132 : i32 to vector<16xi32>
        %add3A_134 = arith.addi %add3A_131, %add3A_133 : vector<16xi32>
        %gather3A = tpu.vector_load_idx %arg8[%add3A_131, %broadcast_in_dim3A_5] : memref<2816x4xf32, #tpu.memory_space<vmem>>[vector<16xi32>, vector<16xi32>], vector<16xf32>,
        %gather3A_135 = tpu.vector_load_idx %arg8[%add3A_131, %add3A_8] : memref<2816x4xf32, #tpu.memory_space<vmem>>[vector<16xi32>, vector<16xi32>], vector<16xf32>,
        %gather3A_136 = tpu.vector_load_idx %arg8[%add3A_131, %add3A_11] : memref<2816x4xf32, #tpu.memory_space<vmem>>[vector<16xi32>, vector<16xi32>], vector<16xf32>,
        %gather3A_137 = tpu.vector_load_idx %arg8[%add3A_134, %broadcast_in_dim3A_5] : memref<2816x4xf32, #tpu.memory_space<vmem>>[vector<16xi32>, vector<16xi32>], vector<16xf32>,
        %gather3A_138 = tpu.vector_load_idx %arg8[%add3A_134, %add3A_8] : memref<2816x4xf32, #tpu.memory_space<vmem>>[vector<16xi32>, vector<16xi32>], vector<16xf32>,
        %gather3A_139 = tpu.vector_load_idx %arg8[%add3A_134, %add3A_11] : memref<2816x4xf32, #tpu.memory_space<vmem>>[vector<16xi32>, vector<16xi32>], vector<16xf32>,
        %sub3A = arith.subf %gather3A, %gather3A_137 : vector<16xf32>
        %sub3A_140 = arith.subf %gather3A_135, %gather3A_138 : vector<16xf32>
        %sub3A_141 = arith.subf %gather3A_136, %gather3A_139 : vector<16xf32>
        %mul3A_142 = arith.mulf %sub3A, %sub3A : vector<16xf32>
        %mul3A_143 = arith.mulf %sub3A_140, %sub3A_140 : vector<16xf32>
        %add3A_144 = arith.addf %mul3A_142, %mul3A_143 : vector<16xf32>
        %mul3A_145 = arith.mulf %sub3A_141, %sub3A_141 : vector<16xf32>
        %add3A_146 = arith.addf %add3A_144, %mul3A_145 : vector<16xf32>
        %add3A_147 = arith.constant 9.99999997E-7 : f32
        %add3A_148 = vector.broadcast %add3A_147 : f32 to vector<16xf32>
        %add3A_149 = arith.addf %add3A_146, %add3A_148 : vector<16xf32>
        %bitcast_convert_type3A = tpu.bitcast %add3A_149 : vector<16xf32> -> vector<16xi32>
        %shift_right_arithmetic3A_150 = arith.constant 1 : i32
        %shift_right_arithmetic3A_151 = vector.broadcast %shift_right_arithmetic3A_150 : i32 to vector<16xi32>
        %shift_right_arithmetic3A_152 = arith.shrsi %bitcast_convert_type3A, %shift_right_arithmetic3A_151 : vector<16xi32>
        %sub3A_153 = arith.constant 1597463007 : i32
        %sub3A_154 = vector.broadcast %sub3A_153 : i32 to vector<16xi32>
        %sub3A_155 = arith.subi %sub3A_154, %shift_right_arithmetic3A_152 : vector<16xi32>
        %bitcast_convert_type3A_156 = tpu.bitcast %sub3A_155 : vector<16xi32> -> vector<16xf32>
        %mul3A_157 = arith.constant 5.000000e-01 : f32
        %mul3A_158 = vector.broadcast %mul3A_157 : f32 to vector<16xf32>
        %mul3A_159 = arith.mulf %mul3A_158, %add3A_149 : vector<16xf32>
        %mul3A_160 = arith.mulf %mul3A_159, %bitcast_convert_type3A_156 : vector<16xf32>
        %mul3A_161 = arith.mulf %mul3A_160, %bitcast_convert_type3A_156 : vector<16xf32>
        %sub3A_162 = arith.constant 1.500000e+00 : f32
        %sub3A_163 = vector.broadcast %sub3A_162 : f32 to vector<16xf32>
        %sub3A_164 = arith.subf %sub3A_163, %mul3A_161 : vector<16xf32>
        %mul3A_165 = arith.mulf %bitcast_convert_type3A_156, %sub3A_164 : vector<16xf32>
        %mul3A_166 = arith.constant 5.000000e-01 : f32
        %mul3A_167 = vector.broadcast %mul3A_166 : f32 to vector<16xf32>
        %mul3A_168 = arith.mulf %mul3A_167, %add3A_149 : vector<16xf32>
        %mul3A_169 = arith.mulf %mul3A_168, %mul3A_165 : vector<16xf32>
        %mul3A_170 = arith.mulf %mul3A_169, %mul3A_165 : vector<16xf32>
        %sub3A_171 = arith.constant 1.500000e+00 : f32
        %sub3A_172 = vector.broadcast %sub3A_171 : f32 to vector<16xf32>
        %sub3A_173 = arith.subf %sub3A_172, %mul3A_170 : vector<16xf32>
        %mul3A_174 = arith.mulf %mul3A_165, %sub3A_173 : vector<16xf32>
        %mul3A_175 = arith.constant 5.000000e-01 : f32
        %mul3A_176 = vector.broadcast %mul3A_175 : f32 to vector<16xf32>
        %mul3A_177 = arith.mulf %mul3A_176, %add3A_149 : vector<16xf32>
        %mul3A_178 = arith.mulf %mul3A_177, %mul3A_174 : vector<16xf32>
        %mul3A_179 = arith.mulf %mul3A_178, %mul3A_174 : vector<16xf32>
        %sub3A_180 = arith.constant 1.500000e+00 : f32
        %sub3A_181 = vector.broadcast %sub3A_180 : f32 to vector<16xf32>
        %sub3A_182 = arith.subf %sub3A_181, %mul3A_179 : vector<16xf32>
        %mul3A_183 = arith.mulf %mul3A_174, %sub3A_182 : vector<16xf32>
        %mul3A_184 = arith.mulf %add3A_149, %mul3A_183 : vector<16xf32>
        %add3A_185 = arith.constant 1.000000e+00 : f32
        %add3A_186 = vector.broadcast %add3A_185 : f32 to vector<16xf32>
        %add3A_187 = arith.addf %mul3A_184, %add3A_186 : vector<16xf32>
        %div3A = arith.constant 1.000000e+00 : f32
        %div3A_188 = vector.broadcast %div3A : f32 to vector<16xf32>
        %div3A_189 = arith.divf %div3A_188, %add3A_187 : vector<16xf32>
        %mul3A_190 = arith.constant 512 : i32
        %mul3A_191 = arith.muli %shift_right_arithmetic3A_123, %mul3A_190 : i32
        %mul3A_192 = arith.constant 16 : i32
        %mul3A_193 = arith.muli %and3A_124, %mul3A_192 : i32
        %add3A_194 = arith.addi %mul3A_191, %mul3A_193 : i32
        %mul3A_195 = arith.mulf %sub3A, %div3A_189 : vector<16xf32>
        %swap3A = arith.index_cast %add3A_194 : i32 to index
        %swap3A_196 = tpu.vector_load %arg10[%swap3A] {strides = array<i32>} : memref<5632xf32, #tpu.memory_space<vmem>>, vector<16xf32>,
        tpu.vector_store %arg10[%swap3A], %mul3A_195 {strides = array<i32>} : memref<5632xf32, #tpu.memory_space<vmem>>, vector<16xf32>,
        %mul3A_197 = arith.mulf %sub3A_140, %div3A_189 : vector<16xf32>
        %add3A_198 = arith.constant 128 : i32
        %add3A_199 = arith.addi %add3A_194, %add3A_198 : i32
        %swap3A_200 = arith.index_cast %add3A_199 : i32 to index
        %swap3A_201 = tpu.vector_load %arg10[%swap3A_200] {strides = array<i32>} : memref<5632xf32, #tpu.memory_space<vmem>>, vector<16xf32>,
        tpu.vector_store %arg10[%swap3A_200], %mul3A_197 {strides = array<i32>} : memref<5632xf32, #tpu.memory_space<vmem>>, vector<16xf32>,
        %mul3A_202 = arith.mulf %sub3A_141, %div3A_189 : vector<16xf32>
        %add3A_203 = arith.constant 256 : i32
        %add3A_204 = arith.addi %add3A_194, %add3A_203 : i32
        %swap3A_205 = arith.index_cast %add3A_204 : i32 to index
        %swap3A_206 = tpu.vector_load %arg10[%swap3A_205] {strides = array<i32>} : memref<5632xf32, #tpu.memory_space<vmem>>, vector<16xf32>,
        tpu.vector_store %arg10[%swap3A_205], %mul3A_202 {strides = array<i32>} : memref<5632xf32, #tpu.memory_space<vmem>>, vector<16xf32>,
        %mul3A_207 = arith.constant 128 : i32
        %mul3A_208 = arith.muli %shift_right_arithmetic3A_123, %mul3A_207 : i32
        %mul3A_209 = arith.constant 16 : i32
        %mul3A_210 = arith.muli %and3A_124, %mul3A_209 : i32
        %add3A_211 = arith.addi %mul3A_208, %mul3A_210 : i32
        %swap3A_212 = arith.index_cast %add3A_211 : i32 to index
        %swap3A_213 = tpu.vector_load %arg12[%swap3A_212] {strides = array<i32>} : memref<1408xf32, #tpu.memory_space<vmem>>, vector<16xf32>,
        tpu.vector_store %arg12[%swap3A_212], %mul3A_184 {strides = array<i32>} : memref<1408xf32, #tpu.memory_space<vmem>>, vector<16xf32>,
      }
      %scan3A_56 = arith.constant 88 : i32
      %mul3A_57 = arith.constant 11 : i32
      %mul3A_58 = arith.muli %mul3A_31, %mul3A_57 : i32
      %add3A_59 = arith.addi %add3A_4, %mul3A_58 : i32
      %mul3A_60 = arith.constant 512 : i32
      %mul3A_61 = arith.muli %mul3A_60, %add3A_59 : i32
      %dma_start3A = tpu.memref_slice %arg5[%mul3A_61] : memref<25600000xf32, #tpu.memory_space<hbm>> -> memref<5632xf32, #tpu.memory_space<hbm>>
      %dma_start3A_62 = tpu.memref_slice %arg5[%mul3A_61] : memref<25600000xf32, #tpu.memory_space<hbm>> -> memref<5632xf32, #tpu.memory_space<hbm>>
      tpu.enqueue_dma source(%arg10 : memref<5632xf32, #tpu.memory_space<vmem>>) target(%dma_start3A_62 : memref<5632xf32, #tpu.memory_space<hbm>>) target_semaphore(%arg16 : memref<!tpu.dma_semaphore, #tpu.memory_space<semaphore_mem>>)
      %mul3A_63 = arith.constant 128 : i32
      %mul3A_64 = arith.muli %mul3A_63, %add3A_59 : i32
      %dma_start3A_65 = tpu.memref_slice %arg4[%mul3A_64] : memref<6400000xf32, #tpu.memory_space<hbm>> -> memref<1408xf32, #tpu.memory_space<hbm>>
      %dma_start3A_66 = tpu.memref_slice %arg4[%mul3A_64] : memref<6400000xf32, #tpu.memory_space<hbm>> -> memref<1408xf32, #tpu.memory_space<hbm>>
      tpu.enqueue_dma source(%arg12 : memref<1408xf32, #tpu.memory_space<vmem>>) target(%dma_start3A_66 : memref<1408xf32, #tpu.memory_space<hbm>>) target_semaphore(%arg16 : memref<!tpu.dma_semaphore, #tpu.memory_space<semaphore_mem>>)
      %add3A_67 = arith.constant 1 : i32
      %add3A_68 = arith.addi %scan3A_29, %add3A_67 : i32
      %lt3A_69 = arith.constant 71 : i32
      %lt3A_70 = arith.cmpi slt, %add3A_68, %lt3A_69 : i32
      %convert_element_type3A_71 = arith.extui %lt3A_70 : i1 to i32
      %cond3A_72 = arith.constant 0 : i32
      %cond3A_73 = arith.cmpi ne, %convert_element_type3A_71, %cond3A_72 : i32
      scf.if %cond3A_73 {
        %add3A_122 = arith.constant 2 : i32
        %add3A_123 = arith.addi %mul3A_31, %add3A_122 : i32
        %mul3A_124 = arith.constant 11 : i32
        %mul3A_125 = arith.muli %add3A_123, %mul3A_124 : i32
        %add3A_126 = arith.addi %add3A_4, %mul3A_125 : i32
        %mul3A_127 = arith.constant 2 : i32
        %mul3A_128 = arith.muli %mul3A_127, %add3A_126 : i32
        "tpu.region"() ({
          %run_scoped3A = tpu.sem_alloc : memref<!tpu.dma_semaphore, #tpu.memory_space<semaphore_mem>>
          %dma_start3A_135 = arith.constant 0 : i32
          %dma_start3A_136 = tpu.memref_slice %arg3[%mul3A_128, %dma_start3A_135] : memref<100000x128xi32, #tpu.memory_space<hbm>> -> memref<22x128xi32, #tpu.memory_space<hbm>>
          %dma_start3A_137 = arith.constant 0 : i32
          %dma_start3A_138 = tpu.memref_slice %arg3[%mul3A_128, %dma_start3A_137] : memref<100000x128xi32, #tpu.memory_space<hbm>> -> memref<22x128xi32, #tpu.memory_space<hbm>>
          tpu.enqueue_dma source(%dma_start3A_138 : memref<22x128xi32, #tpu.memory_space<hbm>>) target(%arg6 : memref<22x128xi32, #tpu.memory_space<vmem>>) target_semaphore(%run_scoped3A : memref<!tpu.dma_semaphore, #tpu.memory_space<semaphore_mem>>)
          %dma_wait3A_139 = arith.constant 0 : i32
          %dma_wait3A_140 = tpu.memref_slice %arg3[%mul3A_128, %dma_wait3A_139] : memref<100000x128xi32, #tpu.memory_space<hbm>> -> memref<22x128xi32, #tpu.memory_space<hbm>>
          %dma_wait3A_141 = arith.constant 0 : i32
          %dma_wait3A_142 = tpu.memref_slice %arg3[%mul3A_128, %dma_wait3A_141] : memref<100000x128xi32, #tpu.memory_space<hbm>> -> memref<22x128xi32, #tpu.memory_space<hbm>>
          tpu.wait_dma2 semaphore(%run_scoped3A : memref<!tpu.dma_semaphore, #tpu.memory_space<semaphore_mem>>) src(%dma_wait3A_142 : memref<22x128xi32, #tpu.memory_space<hbm>>) dst(%arg6 : memref<22x128xi32, #tpu.memory_space<vmem>>)
          tpu.yield
        }) : () -> ()
        %scan3A_129 = arith.constant 0 : i32
        %scan3A_130 = arith.constant 0 : i32
        %scan3A_131 = arith.constant 22 : i32
        %scan3A_132 = arith.addi %scan3A_130, %scan3A_131 : i32
        %scan3A_133 = arith.constant 1 : i32
        scf.for %scan3A_135 = %scan3A_130 to %scan3A_132 step %scan3A_133  : i32 {
          %mul3A_136 = arith.constant 128 : i32
          %mul3A_137 = arith.muli %scan3A_135, %mul3A_136 : i32
          %dma_start3A_138 = arith.constant 0 : i32
          %dma_start3A_139 = tpu.memref_slice %arg8[%mul3A_137, %dma_start3A_138] : memref<2816x4xf32, #tpu.memory_space<vmem>> -> memref<128x4xf32, #tpu.memory_space<vmem>>
          %dma_start3A_140 = arith.constant 0 : i32
          %dma_start3A_141 = tpu.memref_slice %arg6[%scan3A_135, %dma_start3A_140] : memref<22x128xi32, #tpu.memory_space<vmem>> -> memref<1x128xi32, #tpu.memory_space<vmem>>
          %dma_start3A_142 = tpu.memref_squeeze %dma_start3A_141 : memref<1x128xi32, #tpu.memory_space<vmem>> -> memref<128xi32, #tpu.memory_space<vmem>>
          %dma_start3A_143 = arith.constant 0 : i32
          %dma_start3A_144 = arith.constant 0 : i32
          %dma_start3A_145 = tpu.memref_slice %arg2[%dma_start3A_143, %dma_start3A_144] : memref<100000x4xf32, #tpu.memory_space<hbm>> -> memref<100000x4xf32, #tpu.memory_space<hbm>>
          tpu.enqueue_indirect_dma source(%dma_start3A_145 : memref<100000x4xf32, #tpu.memory_space<hbm>>) target(%dma_start3A_139 : memref<128x4xf32, #tpu.memory_space<vmem>>) offsets(%dma_start3A_142 : memref<128xi32, #tpu.memory_space<vmem>>) semaphore(%arg14 : memref<!tpu.dma_semaphore, #tpu.memory_space<semaphore_mem>>)
        }
        %scan3A_134 = arith.constant 22 : i32
      } else {
      }
      %scan3A_74 = arith.constant 0 : i32
      %scan3A_75 = arith.constant 0 : i32
      %scan3A_76 = arith.constant 22 : i32
      %scan3A_77 = arith.addi %scan3A_75, %scan3A_76 : i32
      %scan3A_78 = arith.constant 1 : i32
      scf.for %scan3A_122 = %scan3A_75 to %scan3A_77 step %scan3A_78  : i32 {
        %mul3A_123 = arith.constant 128 : i32
        %mul3A_124 = arith.muli %scan3A_122, %mul3A_123 : i32
        %dma_wait3A_125 = arith.constant 0 : i32
        %dma_wait3A_126 = tpu.memref_slice %arg9[%mul3A_124, %dma_wait3A_125] : memref<2816x4xf32, #tpu.memory_space<vmem>> -> memref<128x4xf32, #tpu.memory_space<vmem>>
        %dma_wait3A_127 = arith.constant 0 : i32
        %dma_wait3A_128 = tpu.memref_slice %arg7[%scan3A_122, %dma_wait3A_127] : memref<22x128xi32, #tpu.memory_space<vmem>> -> memref<1x128xi32, #tpu.memory_space<vmem>>
        %dma_wait3A_129 = tpu.memref_squeeze %dma_wait3A_128 : memref<1x128xi32, #tpu.memory_space<vmem>> -> memref<128xi32, #tpu.memory_space<vmem>>
        %dma_wait3A_130 = arith.constant 0 : i32
        %dma_wait3A_131 = arith.constant 0 : i32
        %dma_wait3A_132 = tpu.memref_slice %arg2[%dma_wait3A_130, %dma_wait3A_131] : memref<100000x4xf32, #tpu.memory_space<hbm>> -> memref<100000x4xf32, #tpu.memory_space<hbm>>
        tpu.wait_indirect_dma semaphore(%arg15 : memref<!tpu.dma_semaphore, #tpu.memory_space<semaphore_mem>>) src(%dma_wait3A_132 : memref<100000x4xf32, #tpu.memory_space<hbm>>) dst(%dma_wait3A_126 : memref<128x4xf32, #tpu.memory_space<vmem>>)
      }
      %scan3A_79 = arith.constant 22 : i32
      %scan3A_80 = arith.constant 0 : i32
      %scan3A_81 = arith.constant 0 : i32
      %scan3A_82 = arith.constant 88 : i32
      %scan3A_83 = arith.addi %scan3A_81, %scan3A_82 : i32
      %scan3A_84 = arith.constant 1 : i32
      scf.for %scan3A_122 = %scan3A_81 to %scan3A_83 step %scan3A_84  : i32 {
        %shift_right_arithmetic3A = arith.constant 3 : i32
        %shift_right_arithmetic3A_123 = arith.shrsi %scan3A_122, %shift_right_arithmetic3A : i32
        %and3A = arith.constant 7 : i32
        %and3A_124 = arith.andi %scan3A_122, %and3A : i32
        %mul3A_125 = arith.constant 256 : i32
        %mul3A_126 = arith.muli %shift_right_arithmetic3A_123, %mul3A_125 : i32
        %mul3A_127 = arith.constant 16 : i32
        %mul3A_128 = arith.muli %and3A_124, %mul3A_127 : i32
        %add3A_129 = arith.addi %mul3A_126, %mul3A_128 : i32
        %add3A_130 = vector.broadcast %add3A_129 : i32 to vector<16xi32>
        %add3A_131 = arith.addi %iota3A, %add3A_130 : vector<16xi32>
        %add3A_132 = arith.constant 128 : i32
        %add3A_133 = vector.broadcast %add3A_132 : i32 to vector<16xi32>
        %add3A_134 = arith.addi %add3A_131, %add3A_133 : vector<16xi32>
        %gather3A = tpu.vector_load_idx %arg9[%add3A_131, %broadcast_in_dim3A_5] : memref<2816x4xf32, #tpu.memory_space<vmem>>[vector<16xi32>, vector<16xi32>], vector<16xf32>,
        %gather3A_135 = tpu.vector_load_idx %arg9[%add3A_131, %add3A_8] : memref<2816x4xf32, #tpu.memory_space<vmem>>[vector<16xi32>, vector<16xi32>], vector<16xf32>,
        %gather3A_136 = tpu.vector_load_idx %arg9[%add3A_131, %add3A_11] : memref<2816x4xf32, #tpu.memory_space<vmem>>[vector<16xi32>, vector<16xi32>], vector<16xf32>,
        %gather3A_137 = tpu.vector_load_idx %arg9[%add3A_134, %broadcast_in_dim3A_5] : memref<2816x4xf32, #tpu.memory_space<vmem>>[vector<16xi32>, vector<16xi32>], vector<16xf32>,
        %gather3A_138 = tpu.vector_load_idx %arg9[%add3A_134, %add3A_8] : memref<2816x4xf32, #tpu.memory_space<vmem>>[vector<16xi32>, vector<16xi32>], vector<16xf32>,
        %gather3A_139 = tpu.vector_load_idx %arg9[%add3A_134, %add3A_11] : memref<2816x4xf32, #tpu.memory_space<vmem>>[vector<16xi32>, vector<16xi32>], vector<16xf32>,
        %sub3A = arith.subf %gather3A, %gather3A_137 : vector<16xf32>
        %sub3A_140 = arith.subf %gather3A_135, %gather3A_138 : vector<16xf32>
        %sub3A_141 = arith.subf %gather3A_136, %gather3A_139 : vector<16xf32>
        %mul3A_142 = arith.mulf %sub3A, %sub3A : vector<16xf32>
        %mul3A_143 = arith.mulf %sub3A_140, %sub3A_140 : vector<16xf32>
        %add3A_144 = arith.addf %mul3A_142, %mul3A_143 : vector<16xf32>
        %mul3A_145 = arith.mulf %sub3A_141, %sub3A_141 : vector<16xf32>
        %add3A_146 = arith.addf %add3A_144, %mul3A_145 : vector<16xf32>
        %add3A_147 = arith.constant 9.99999997E-7 : f32
        %add3A_148 = vector.broadcast %add3A_147 : f32 to vector<16xf32>
        %add3A_149 = arith.addf %add3A_146, %add3A_148 : vector<16xf32>
        %bitcast_convert_type3A = tpu.bitcast %add3A_149 : vector<16xf32> -> vector<16xi32>
        %shift_right_arithmetic3A_150 = arith.constant 1 : i32
        %shift_right_arithmetic3A_151 = vector.broadcast %shift_right_arithmetic3A_150 : i32 to vector<16xi32>
        %shift_right_arithmetic3A_152 = arith.shrsi %bitcast_convert_type3A, %shift_right_arithmetic3A_151 : vector<16xi32>
        %sub3A_153 = arith.constant 1597463007 : i32
        %sub3A_154 = vector.broadcast %sub3A_153 : i32 to vector<16xi32>
        %sub3A_155 = arith.subi %sub3A_154, %shift_right_arithmetic3A_152 : vector<16xi32>
        %bitcast_convert_type3A_156 = tpu.bitcast %sub3A_155 : vector<16xi32> -> vector<16xf32>
        %mul3A_157 = arith.constant 5.000000e-01 : f32
        %mul3A_158 = vector.broadcast %mul3A_157 : f32 to vector<16xf32>
        %mul3A_159 = arith.mulf %mul3A_158, %add3A_149 : vector<16xf32>
        %mul3A_160 = arith.mulf %mul3A_159, %bitcast_convert_type3A_156 : vector<16xf32>
        %mul3A_161 = arith.mulf %mul3A_160, %bitcast_convert_type3A_156 : vector<16xf32>
        %sub3A_162 = arith.constant 1.500000e+00 : f32
        %sub3A_163 = vector.broadcast %sub3A_162 : f32 to vector<16xf32>
        %sub3A_164 = arith.subf %sub3A_163, %mul3A_161 : vector<16xf32>
        %mul3A_165 = arith.mulf %bitcast_convert_type3A_156, %sub3A_164 : vector<16xf32>
        %mul3A_166 = arith.constant 5.000000e-01 : f32
        %mul3A_167 = vector.broadcast %mul3A_166 : f32 to vector<16xf32>
        %mul3A_168 = arith.mulf %mul3A_167, %add3A_149 : vector<16xf32>
        %mul3A_169 = arith.mulf %mul3A_168, %mul3A_165 : vector<16xf32>
        %mul3A_170 = arith.mulf %mul3A_169, %mul3A_165 : vector<16xf32>
        %sub3A_171 = arith.constant 1.500000e+00 : f32
        %sub3A_172 = vector.broadcast %sub3A_171 : f32 to vector<16xf32>
        %sub3A_173 = arith.subf %sub3A_172, %mul3A_170 : vector<16xf32>
        %mul3A_174 = arith.mulf %mul3A_165, %sub3A_173 : vector<16xf32>
        %mul3A_175 = arith.constant 5.000000e-01 : f32
        %mul3A_176 = vector.broadcast %mul3A_175 : f32 to vector<16xf32>
        %mul3A_177 = arith.mulf %mul3A_176, %add3A_149 : vector<16xf32>
        %mul3A_178 = arith.mulf %mul3A_177, %mul3A_174 : vector<16xf32>
        %mul3A_179 = arith.mulf %mul3A_178, %mul3A_174 : vector<16xf32>
        %sub3A_180 = arith.constant 1.500000e+00 : f32
        %sub3A_181 = vector.broadcast %sub3A_180 : f32 to vector<16xf32>
        %sub3A_182 = arith.subf %sub3A_181, %mul3A_179 : vector<16xf32>
        %mul3A_183 = arith.mulf %mul3A_174, %sub3A_182 : vector<16xf32>
        %mul3A_184 = arith.mulf %add3A_149, %mul3A_183 : vector<16xf32>
        %add3A_185 = arith.constant 1.000000e+00 : f32
        %add3A_186 = vector.broadcast %add3A_185 : f32 to vector<16xf32>
        %add3A_187 = arith.addf %mul3A_184, %add3A_186 : vector<16xf32>
        %div3A = arith.constant 1.000000e+00 : f32
        %div3A_188 = vector.broadcast %div3A : f32 to vector<16xf32>
        %div3A_189 = arith.divf %div3A_188, %add3A_187 : vector<16xf32>
        %mul3A_190 = arith.constant 512 : i32
        %mul3A_191 = arith.muli %shift_right_arithmetic3A_123, %mul3A_190 : i32
        %mul3A_192 = arith.constant 16 : i32
        %mul3A_193 = arith.muli %and3A_124, %mul3A_192 : i32
        %add3A_194 = arith.addi %mul3A_191, %mul3A_193 : i32
        %mul3A_195 = arith.mulf %sub3A, %div3A_189 : vector<16xf32>
        %swap3A = arith.index_cast %add3A_194 : i32 to index
        %swap3A_196 = tpu.vector_load %arg11[%swap3A] {strides = array<i32>} : memref<5632xf32, #tpu.memory_space<vmem>>, vector<16xf32>,
        tpu.vector_store %arg11[%swap3A], %mul3A_195 {strides = array<i32>} : memref<5632xf32, #tpu.memory_space<vmem>>, vector<16xf32>,
        %mul3A_197 = arith.mulf %sub3A_140, %div3A_189 : vector<16xf32>
        %add3A_198 = arith.constant 128 : i32
        %add3A_199 = arith.addi %add3A_194, %add3A_198 : i32
        %swap3A_200 = arith.index_cast %add3A_199 : i32 to index
        %swap3A_201 = tpu.vector_load %arg11[%swap3A_200] {strides = array<i32>} : memref<5632xf32, #tpu.memory_space<vmem>>, vector<16xf32>,
        tpu.vector_store %arg11[%swap3A_200], %mul3A_197 {strides = array<i32>} : memref<5632xf32, #tpu.memory_space<vmem>>, vector<16xf32>,
        %mul3A_202 = arith.mulf %sub3A_141, %div3A_189 : vector<16xf32>
        %add3A_203 = arith.constant 256 : i32
        %add3A_204 = arith.addi %add3A_194, %add3A_203 : i32
        %swap3A_205 = arith.index_cast %add3A_204 : i32 to index
        %swap3A_206 = tpu.vector_load %arg11[%swap3A_205] {strides = array<i32>} : memref<5632xf32, #tpu.memory_space<vmem>>, vector<16xf32>,
        tpu.vector_store %arg11[%swap3A_205], %mul3A_202 {strides = array<i32>} : memref<5632xf32, #tpu.memory_space<vmem>>, vector<16xf32>,
        %mul3A_207 = arith.constant 128 : i32
        %mul3A_208 = arith.muli %shift_right_arithmetic3A_123, %mul3A_207 : i32
        %mul3A_209 = arith.constant 16 : i32
        %mul3A_210 = arith.muli %and3A_124, %mul3A_209 : i32
        %add3A_211 = arith.addi %mul3A_208, %mul3A_210 : i32
        %swap3A_212 = arith.index_cast %add3A_211 : i32 to index
        %swap3A_213 = tpu.vector_load %arg13[%swap3A_212] {strides = array<i32>} : memref<1408xf32, #tpu.memory_space<vmem>>, vector<16xf32>,
        tpu.vector_store %arg13[%swap3A_212], %mul3A_184 {strides = array<i32>} : memref<1408xf32, #tpu.memory_space<vmem>>, vector<16xf32>,
      }
      %scan3A_85 = arith.constant 88 : i32
      %add3A_86 = arith.constant 1 : i32
      %add3A_87 = arith.addi %mul3A_31, %add3A_86 : i32
      %mul3A_88 = arith.constant 11 : i32
      %mul3A_89 = arith.muli %add3A_87, %mul3A_88 : i32
      %add3A_90 = arith.addi %add3A_4, %mul3A_89 : i32
      %mul3A_91 = arith.constant 512 : i32
      %mul3A_92 = arith.muli %mul3A_91, %add3A_90 : i32
      %dma_start3A_93 = tpu.memref_slice %arg5[%mul3A_92] : memref<25600000xf32, #tpu.memory_space<hbm>> -> memref<5632xf32, #tpu.memory_space<hbm>>
      %dma_start3A_94 = tpu.memref_slice %arg5[%mul3A_92] : memref<25600000xf32, #tpu.memory_space<hbm>> -> memref<5632xf32, #tpu.memory_space<hbm>>
      tpu.enqueue_dma source(%arg11 : memref<5632xf32, #tpu.memory_space<vmem>>) target(%dma_start3A_94 : memref<5632xf32, #tpu.memory_space<hbm>>) target_semaphore(%arg17 : memref<!tpu.dma_semaphore, #tpu.memory_space<semaphore_mem>>)
      %mul3A_95 = arith.constant 128 : i32
      %mul3A_96 = arith.muli %mul3A_95, %add3A_90 : i32
      %dma_start3A_97 = tpu.memref_slice %arg4[%mul3A_96] : memref<6400000xf32, #tpu.memory_space<hbm>> -> memref<1408xf32, #tpu.memory_space<hbm>>
      %dma_start3A_98 = tpu.memref_slice %arg4[%mul3A_96] : memref<6400000xf32, #tpu.memory_space<hbm>> -> memref<1408xf32, #tpu.memory_space<hbm>>
      tpu.enqueue_dma source(%arg13 : memref<1408xf32, #tpu.memory_space<vmem>>) target(%dma_start3A_98 : memref<1408xf32, #tpu.memory_space<hbm>>) target_semaphore(%arg17 : memref<!tpu.dma_semaphore, #tpu.memory_space<semaphore_mem>>)
      %mul3A_99 = arith.constant 11 : i32
      %mul3A_100 = arith.muli %mul3A_31, %mul3A_99 : i32
      %add3A_101 = arith.addi %add3A_4, %mul3A_100 : i32
      %mul3A_102 = arith.constant 512 : i32
      %mul3A_103 = arith.muli %mul3A_102, %add3A_101 : i32
      %dma_wait3A = tpu.memref_slice %arg5[%mul3A_103] : memref<25600000xf32, #tpu.memory_space<hbm>> -> memref<5632xf32, #tpu.memory_space<hbm>>
      %dma_wait3A_104 = tpu.memref_slice %arg5[%mul3A_103] : memref<25600000xf32, #tpu.memory_space<hbm>> -> memref<5632xf32, #tpu.memory_space<hbm>>
      tpu.wait_dma2 semaphore(%arg16 : memref<!tpu.dma_semaphore, #tpu.memory_space<semaphore_mem>>) src(%arg10 : memref<5632xf32, #tpu.memory_space<vmem>>) dst(%dma_wait3A_104 : memref<5632xf32, #tpu.memory_space<hbm>>)
      %mul3A_105 = arith.constant 128 : i32
      %mul3A_106 = arith.muli %mul3A_105, %add3A_101 : i32
      %dma_wait3A_107 = tpu.memref_slice %arg4[%mul3A_106] : memref<6400000xf32, #tpu.memory_space<hbm>> -> memref<1408xf32, #tpu.memory_space<hbm>>
      %dma_wait3A_108 = tpu.memref_slice %arg4[%mul3A_106] : memref<6400000xf32, #tpu.memory_space<hbm>> -> memref<1408xf32, #tpu.memory_space<hbm>>
      tpu.wait_dma2 semaphore(%arg16 : memref<!tpu.dma_semaphore, #tpu.memory_space<semaphore_mem>>) src(%arg12 : memref<1408xf32, #tpu.memory_space<vmem>>) dst(%dma_wait3A_108 : memref<1408xf32, #tpu.memory_space<hbm>>)
      %add3A_109 = arith.constant 1 : i32
      %add3A_110 = arith.addi %mul3A_31, %add3A_109 : i32
      %mul3A_111 = arith.constant 11 : i32
      %mul3A_112 = arith.muli %add3A_110, %mul3A_111 : i32
      %add3A_113 = arith.addi %add3A_4, %mul3A_112 : i32
      %mul3A_114 = arith.constant 512 : i32
      %mul3A_115 = arith.muli %mul3A_114, %add3A_113 : i32
      %dma_wait3A_116 = tpu.memref_slice %arg5[%mul3A_115] : memref<25600000xf32, #tpu.memory_space<hbm>> -> memref<5632xf32, #tpu.memory_space<hbm>>
      %dma_wait3A_117 = tpu.memref_slice %arg5[%mul3A_115] : memref<25600000xf32, #tpu.memory_space<hbm>> -> memref<5632xf32, #tpu.memory_space<hbm>>
      tpu.wait_dma2 semaphore(%arg17 : memref<!tpu.dma_semaphore, #tpu.memory_space<semaphore_mem>>) src(%arg11 : memref<5632xf32, #tpu.memory_space<vmem>>) dst(%dma_wait3A_117 : memref<5632xf32, #tpu.memory_space<hbm>>)
      %mul3A_118 = arith.constant 128 : i32
      %mul3A_119 = arith.muli %mul3A_118, %add3A_113 : i32
      %dma_wait3A_120 = tpu.memref_slice %arg4[%mul3A_119] : memref<6400000xf32, #tpu.memory_space<hbm>> -> memref<1408xf32, #tpu.memory_space<hbm>>
      %dma_wait3A_121 = tpu.memref_slice %arg4[%mul3A_119] : memref<6400000xf32, #tpu.memory_space<hbm>> -> memref<1408xf32, #tpu.memory_space<hbm>>
      tpu.wait_dma2 semaphore(%arg17 : memref<!tpu.dma_semaphore, #tpu.memory_space<semaphore_mem>>) src(%arg13 : memref<1408xf32, #tpu.memory_space<vmem>>) dst(%dma_wait3A_121 : memref<1408xf32, #tpu.memory_space<hbm>>)
    }
    %scan3A_26 = arith.constant 71 : i32
    %lt3A = arith.constant 16 : i32
    %lt3A_27 = arith.cmpi slt, %add3A, %lt3A : i32
    %convert_element_type3A = arith.extui %lt3A_27 : i1 to i32
    %cond3A = arith.constant 0 : i32
    %cond3A_28 = arith.cmpi ne, %convert_element_type3A, %cond3A : i32
    scf.if %cond3A_28 {
      %add3A_29 = arith.constant 1562 : i32
      %add3A_30 = arith.addi %add3A_4, %add3A_29 : i32
      %mul3A_31 = arith.constant 2 : i32
      %mul3A_32 = arith.muli %mul3A_31, %add3A_30 : i32
      "tpu.region"() ({
        %run_scoped3A = tpu.sem_alloc : memref<!tpu.dma_semaphore, #tpu.memory_space<semaphore_mem>>
        %dma_start3A_81 = arith.constant 0 : i32
        %dma_start3A_82 = arith.constant 0 : i32
        %dma_start3A_83 = tpu.memref_slice %arg6[%dma_start3A_81, %dma_start3A_82] : memref<22x128xi32, #tpu.memory_space<vmem>> -> memref<2x128xi32, #tpu.memory_space<vmem>>
        %dma_start3A_84 = arith.constant 0 : i32
        %dma_start3A_85 = tpu.memref_slice %arg3[%mul3A_32, %dma_start3A_84] : memref<100000x128xi32, #tpu.memory_space<hbm>> -> memref<2x128xi32, #tpu.memory_space<hbm>>
        %dma_start3A_86 = arith.constant 0 : i32
        %dma_start3A_87 = arith.constant 0 : i32
        %dma_start3A_88 = tpu.memref_slice %arg6[%dma_start3A_86, %dma_start3A_87] : memref<22x128xi32, #tpu.memory_space<vmem>> -> memref<2x128xi32, #tpu.memory_space<vmem>>
        %dma_start3A_89 = arith.constant 0 : i32
        %dma_start3A_90 = tpu.memref_slice %arg3[%mul3A_32, %dma_start3A_89] : memref<100000x128xi32, #tpu.memory_space<hbm>> -> memref<2x128xi32, #tpu.memory_space<hbm>>
        tpu.enqueue_dma source(%dma_start3A_90 : memref<2x128xi32, #tpu.memory_space<hbm>>) target(%dma_start3A_88 : memref<2x128xi32, #tpu.memory_space<vmem>>) target_semaphore(%run_scoped3A : memref<!tpu.dma_semaphore, #tpu.memory_space<semaphore_mem>>)
        %dma_wait3A_91 = arith.constant 0 : i32
        %dma_wait3A_92 = arith.constant 0 : i32
        %dma_wait3A_93 = tpu.memref_slice %arg6[%dma_wait3A_91, %dma_wait3A_92] : memref<22x128xi32, #tpu.memory_space<vmem>> -> memref<2x128xi32, #tpu.memory_space<vmem>>
        %dma_wait3A_94 = arith.constant 0 : i32
        %dma_wait3A_95 = tpu.memref_slice %arg3[%mul3A_32, %dma_wait3A_94] : memref<100000x128xi32, #tpu.memory_space<hbm>> -> memref<2x128xi32, #tpu.memory_space<hbm>>
        %dma_wait3A_96 = arith.constant 0 : i32
        %dma_wait3A_97 = arith.constant 0 : i32
        %dma_wait3A_98 = tpu.memref_slice %arg6[%dma_wait3A_96, %dma_wait3A_97] : memref<22x128xi32, #tpu.memory_space<vmem>> -> memref<2x128xi32, #tpu.memory_space<vmem>>
        %dma_wait3A_99 = arith.constant 0 : i32
        %dma_wait3A_100 = tpu.memref_slice %arg3[%mul3A_32, %dma_wait3A_99] : memref<100000x128xi32, #tpu.memory_space<hbm>> -> memref<2x128xi32, #tpu.memory_space<hbm>>
        tpu.wait_dma2 semaphore(%run_scoped3A : memref<!tpu.dma_semaphore, #tpu.memory_space<semaphore_mem>>) src(%dma_wait3A_100 : memref<2x128xi32, #tpu.memory_space<hbm>>) dst(%dma_wait3A_98 : memref<2x128xi32, #tpu.memory_space<vmem>>)
        tpu.yield
      }) : () -> ()
      %dma_start3A = arith.constant 0 : i32
      %dma_start3A_33 = arith.constant 0 : i32
      %dma_start3A_34 = arith.constant 0 : i32
      %dma_start3A_35 = tpu.memref_slice %arg8[%dma_start3A_33, %dma_start3A_34] : memref<2816x4xf32, #tpu.memory_space<vmem>> -> memref<128x4xf32, #tpu.memory_space<vmem>>
      %dma_start3A_36 = arith.constant 0 : i32
      %dma_start3A_37 = tpu.memref_slice %arg6[%dma_start3A, %dma_start3A_36] : memref<22x128xi32, #tpu.memory_space<vmem>> -> memref<1x128xi32, #tpu.memory_space<vmem>>
      %dma_start3A_38 = tpu.memref_squeeze %dma_start3A_37 : memref<1x128xi32, #tpu.memory_space<vmem>> -> memref<128xi32, #tpu.memory_space<vmem>>
      %dma_start3A_39 = arith.constant 0 : i32
      %dma_start3A_40 = arith.constant 0 : i32
      %dma_start3A_41 = tpu.memref_slice %arg2[%dma_start3A_39, %dma_start3A_40] : memref<100000x4xf32, #tpu.memory_space<hbm>> -> memref<100000x4xf32, #tpu.memory_space<hbm>>
      tpu.enqueue_indirect_dma source(%dma_start3A_41 : memref<100000x4xf32, #tpu.memory_space<hbm>>) target(%dma_start3A_35 : memref<128x4xf32, #tpu.memory_space<vmem>>) offsets(%dma_start3A_38 : memref<128xi32, #tpu.memory_space<vmem>>) semaphore(%arg14 : memref<!tpu.dma_semaphore, #tpu.memory_space<semaphore_mem>>)
      %dma_start3A_42 = arith.constant 1 : i32
      %dma_start3A_43 = arith.constant 128 : i32
      %dma_start3A_44 = arith.constant 0 : i32
      %dma_start3A_45 = tpu.memref_slice %arg8[%dma_start3A_43, %dma_start3A_44] : memref<2816x4xf32, #tpu.memory_space<vmem>> -> memref<128x4xf32, #tpu.memory_space<vmem>>
      %dma_start3A_46 = arith.constant 0 : i32
      %dma_start3A_47 = tpu.memref_slice %arg6[%dma_start3A_42, %dma_start3A_46] : memref<22x128xi32, #tpu.memory_space<vmem>> -> memref<1x128xi32, #tpu.memory_space<vmem>>
      %dma_start3A_48 = tpu.memref_squeeze %dma_start3A_47 : memref<1x128xi32, #tpu.memory_space<vmem>> -> memref<128xi32, #tpu.memory_space<vmem>>
      %dma_start3A_49 = arith.constant 0 : i32
      %dma_start3A_50 = arith.constant 0 : i32
      %dma_start3A_51 = tpu.memref_slice %arg2[%dma_start3A_49, %dma_start3A_50] : memref<100000x4xf32, #tpu.memory_space<hbm>> -> memref<100000x4xf32, #tpu.memory_space<hbm>>
      tpu.enqueue_indirect_dma source(%dma_start3A_51 : memref<100000x4xf32, #tpu.memory_space<hbm>>) target(%dma_start3A_45 : memref<128x4xf32, #tpu.memory_space<vmem>>) offsets(%dma_start3A_48 : memref<128xi32, #tpu.memory_space<vmem>>) semaphore(%arg14 : memref<!tpu.dma_semaphore, #tpu.memory_space<semaphore_mem>>)
      %dma_wait3A = arith.constant 0 : i32
      %dma_wait3A_52 = arith.constant 0 : i32
      %dma_wait3A_53 = arith.constant 0 : i32
      %dma_wait3A_54 = tpu.memref_slice %arg8[%dma_wait3A_52, %dma_wait3A_53] : memref<2816x4xf32, #tpu.memory_space<vmem>> -> memref<128x4xf32, #tpu.memory_space<vmem>>
      %dma_wait3A_55 = arith.constant 0 : i32
      %dma_wait3A_56 = tpu.memref_slice %arg6[%dma_wait3A, %dma_wait3A_55] : memref<22x128xi32, #tpu.memory_space<vmem>> -> memref<1x128xi32, #tpu.memory_space<vmem>>
      %dma_wait3A_57 = tpu.memref_squeeze %dma_wait3A_56 : memref<1x128xi32, #tpu.memory_space<vmem>> -> memref<128xi32, #tpu.memory_space<vmem>>
      %dma_wait3A_58 = arith.constant 0 : i32
      %dma_wait3A_59 = arith.constant 0 : i32
      %dma_wait3A_60 = tpu.memref_slice %arg2[%dma_wait3A_58, %dma_wait3A_59] : memref<100000x4xf32, #tpu.memory_space<hbm>> -> memref<100000x4xf32, #tpu.memory_space<hbm>>
      tpu.wait_indirect_dma semaphore(%arg14 : memref<!tpu.dma_semaphore, #tpu.memory_space<semaphore_mem>>) src(%dma_wait3A_60 : memref<100000x4xf32, #tpu.memory_space<hbm>>) dst(%dma_wait3A_54 : memref<128x4xf32, #tpu.memory_space<vmem>>)
      %dma_wait3A_61 = arith.constant 1 : i32
      %dma_wait3A_62 = arith.constant 128 : i32
      %dma_wait3A_63 = arith.constant 0 : i32
      %dma_wait3A_64 = tpu.memref_slice %arg8[%dma_wait3A_62, %dma_wait3A_63] : memref<2816x4xf32, #tpu.memory_space<vmem>> -> memref<128x4xf32, #tpu.memory_space<vmem>>
      %dma_wait3A_65 = arith.constant 0 : i32
      %dma_wait3A_66 = tpu.memref_slice %arg6[%dma_wait3A_61, %dma_wait3A_65] : memref<22x128xi32, #tpu.memory_space<vmem>> -> memref<1x128xi32, #tpu.memory_space<vmem>>
      %dma_wait3A_67 = tpu.memref_squeeze %dma_wait3A_66 : memref<1x128xi32, #tpu.memory_space<vmem>> -> memref<128xi32, #tpu.memory_space<vmem>>
      %dma_wait3A_68 = arith.constant 0 : i32
      %dma_wait3A_69 = arith.constant 0 : i32
      %dma_wait3A_70 = tpu.memref_slice %arg2[%dma_wait3A_68, %dma_wait3A_69] : memref<100000x4xf32, #tpu.memory_space<hbm>> -> memref<100000x4xf32, #tpu.memory_space<hbm>>
      tpu.wait_indirect_dma semaphore(%arg14 : memref<!tpu.dma_semaphore, #tpu.memory_space<semaphore_mem>>) src(%dma_wait3A_70 : memref<100000x4xf32, #tpu.memory_space<hbm>>) dst(%dma_wait3A_64 : memref<128x4xf32, #tpu.memory_space<vmem>>)
      %scan3A_71 = arith.constant 0 : i32
      %scan3A_72 = arith.constant 0 : i32
      %scan3A_73 = arith.constant 8 : i32
      %scan3A_74 = arith.addi %scan3A_72, %scan3A_73 : i32
      %scan3A_75 = arith.constant 1 : i32
      scf.for %scan3A_81 = %scan3A_72 to %scan3A_74 step %scan3A_75  : i32 {
        %shift_right_arithmetic3A = arith.constant 3 : i32
        %shift_right_arithmetic3A_82 = arith.shrsi %scan3A_81, %shift_right_arithmetic3A : i32
        %and3A = arith.constant 7 : i32
        %and3A_83 = arith.andi %scan3A_81, %and3A : i32
        %mul3A_84 = arith.constant 256 : i32
        %mul3A_85 = arith.muli %shift_right_arithmetic3A_82, %mul3A_84 : i32
        %mul3A_86 = arith.constant 16 : i32
        %mul3A_87 = arith.muli %and3A_83, %mul3A_86 : i32
        %add3A_88 = arith.addi %mul3A_85, %mul3A_87 : i32
        %add3A_89 = vector.broadcast %add3A_88 : i32 to vector<16xi32>
        %add3A_90 = arith.addi %iota3A, %add3A_89 : vector<16xi32>
        %add3A_91 = arith.constant 128 : i32
        %add3A_92 = vector.broadcast %add3A_91 : i32 to vector<16xi32>
        %add3A_93 = arith.addi %add3A_90, %add3A_92 : vector<16xi32>
        %gather3A = tpu.vector_load_idx %arg8[%add3A_90, %broadcast_in_dim3A_5] : memref<2816x4xf32, #tpu.memory_space<vmem>>[vector<16xi32>, vector<16xi32>], vector<16xf32>,
        %gather3A_94 = tpu.vector_load_idx %arg8[%add3A_90, %add3A_8] : memref<2816x4xf32, #tpu.memory_space<vmem>>[vector<16xi32>, vector<16xi32>], vector<16xf32>,
        %gather3A_95 = tpu.vector_load_idx %arg8[%add3A_90, %add3A_11] : memref<2816x4xf32, #tpu.memory_space<vmem>>[vector<16xi32>, vector<16xi32>], vector<16xf32>,
        %gather3A_96 = tpu.vector_load_idx %arg8[%add3A_93, %broadcast_in_dim3A_5] : memref<2816x4xf32, #tpu.memory_space<vmem>>[vector<16xi32>, vector<16xi32>], vector<16xf32>,
        %gather3A_97 = tpu.vector_load_idx %arg8[%add3A_93, %add3A_8] : memref<2816x4xf32, #tpu.memory_space<vmem>>[vector<16xi32>, vector<16xi32>], vector<16xf32>,
        %gather3A_98 = tpu.vector_load_idx %arg8[%add3A_93, %add3A_11] : memref<2816x4xf32, #tpu.memory_space<vmem>>[vector<16xi32>, vector<16xi32>], vector<16xf32>,
        %sub3A = arith.subf %gather3A, %gather3A_96 : vector<16xf32>
        %sub3A_99 = arith.subf %gather3A_94, %gather3A_97 : vector<16xf32>
        %sub3A_100 = arith.subf %gather3A_95, %gather3A_98 : vector<16xf32>
        %mul3A_101 = arith.mulf %sub3A, %sub3A : vector<16xf32>
        %mul3A_102 = arith.mulf %sub3A_99, %sub3A_99 : vector<16xf32>
        %add3A_103 = arith.addf %mul3A_101, %mul3A_102 : vector<16xf32>
        %mul3A_104 = arith.mulf %sub3A_100, %sub3A_100 : vector<16xf32>
        %add3A_105 = arith.addf %add3A_103, %mul3A_104 : vector<16xf32>
        %add3A_106 = arith.constant 9.99999997E-7 : f32
        %add3A_107 = vector.broadcast %add3A_106 : f32 to vector<16xf32>
        %add3A_108 = arith.addf %add3A_105, %add3A_107 : vector<16xf32>
        %bitcast_convert_type3A = tpu.bitcast %add3A_108 : vector<16xf32> -> vector<16xi32>
        %shift_right_arithmetic3A_109 = arith.constant 1 : i32
        %shift_right_arithmetic3A_110 = vector.broadcast %shift_right_arithmetic3A_109 : i32 to vector<16xi32>
        %shift_right_arithmetic3A_111 = arith.shrsi %bitcast_convert_type3A, %shift_right_arithmetic3A_110 : vector<16xi32>
        %sub3A_112 = arith.constant 1597463007 : i32
        %sub3A_113 = vector.broadcast %sub3A_112 : i32 to vector<16xi32>
        %sub3A_114 = arith.subi %sub3A_113, %shift_right_arithmetic3A_111 : vector<16xi32>
        %bitcast_convert_type3A_115 = tpu.bitcast %sub3A_114 : vector<16xi32> -> vector<16xf32>
        %mul3A_116 = arith.constant 5.000000e-01 : f32
        %mul3A_117 = vector.broadcast %mul3A_116 : f32 to vector<16xf32>
        %mul3A_118 = arith.mulf %mul3A_117, %add3A_108 : vector<16xf32>
        %mul3A_119 = arith.mulf %mul3A_118, %bitcast_convert_type3A_115 : vector<16xf32>
        %mul3A_120 = arith.mulf %mul3A_119, %bitcast_convert_type3A_115 : vector<16xf32>
        %sub3A_121 = arith.constant 1.500000e+00 : f32
        %sub3A_122 = vector.broadcast %sub3A_121 : f32 to vector<16xf32>
        %sub3A_123 = arith.subf %sub3A_122, %mul3A_120 : vector<16xf32>
        %mul3A_124 = arith.mulf %bitcast_convert_type3A_115, %sub3A_123 : vector<16xf32>
        %mul3A_125 = arith.constant 5.000000e-01 : f32
        %mul3A_126 = vector.broadcast %mul3A_125 : f32 to vector<16xf32>
        %mul3A_127 = arith.mulf %mul3A_126, %add3A_108 : vector<16xf32>
        %mul3A_128 = arith.mulf %mul3A_127, %mul3A_124 : vector<16xf32>
        %mul3A_129 = arith.mulf %mul3A_128, %mul3A_124 : vector<16xf32>
        %sub3A_130 = arith.constant 1.500000e+00 : f32
        %sub3A_131 = vector.broadcast %sub3A_130 : f32 to vector<16xf32>
        %sub3A_132 = arith.subf %sub3A_131, %mul3A_129 : vector<16xf32>
        %mul3A_133 = arith.mulf %mul3A_124, %sub3A_132 : vector<16xf32>
        %mul3A_134 = arith.constant 5.000000e-01 : f32
        %mul3A_135 = vector.broadcast %mul3A_134 : f32 to vector<16xf32>
        %mul3A_136 = arith.mulf %mul3A_135, %add3A_108 : vector<16xf32>
        %mul3A_137 = arith.mulf %mul3A_136, %mul3A_133 : vector<16xf32>
        %mul3A_138 = arith.mulf %mul3A_137, %mul3A_133 : vector<16xf32>
        %sub3A_139 = arith.constant 1.500000e+00 : f32
        %sub3A_140 = vector.broadcast %sub3A_139 : f32 to vector<16xf32>
        %sub3A_141 = arith.subf %sub3A_140, %mul3A_138 : vector<16xf32>
        %mul3A_142 = arith.mulf %mul3A_133, %sub3A_141 : vector<16xf32>
        %mul3A_143 = arith.mulf %add3A_108, %mul3A_142 : vector<16xf32>
        %add3A_144 = arith.constant 1.000000e+00 : f32
        %add3A_145 = vector.broadcast %add3A_144 : f32 to vector<16xf32>
        %add3A_146 = arith.addf %mul3A_143, %add3A_145 : vector<16xf32>
        %div3A = arith.constant 1.000000e+00 : f32
        %div3A_147 = vector.broadcast %div3A : f32 to vector<16xf32>
        %div3A_148 = arith.divf %div3A_147, %add3A_146 : vector<16xf32>
        %mul3A_149 = arith.constant 512 : i32
        %mul3A_150 = arith.muli %shift_right_arithmetic3A_82, %mul3A_149 : i32
        %mul3A_151 = arith.constant 16 : i32
        %mul3A_152 = arith.muli %and3A_83, %mul3A_151 : i32
        %add3A_153 = arith.addi %mul3A_150, %mul3A_152 : i32
        %mul3A_154 = arith.mulf %sub3A, %div3A_148 : vector<16xf32>
        %swap3A = arith.index_cast %add3A_153 : i32 to index
        %swap3A_155 = tpu.vector_load %arg10[%swap3A] {strides = array<i32>} : memref<5632xf32, #tpu.memory_space<vmem>>, vector<16xf32>,
        tpu.vector_store %arg10[%swap3A], %mul3A_154 {strides = array<i32>} : memref<5632xf32, #tpu.memory_space<vmem>>, vector<16xf32>,
        %mul3A_156 = arith.mulf %sub3A_99, %div3A_148 : vector<16xf32>
        %add3A_157 = arith.constant 128 : i32
        %add3A_158 = arith.addi %add3A_153, %add3A_157 : i32
        %swap3A_159 = arith.index_cast %add3A_158 : i32 to index
        %swap3A_160 = tpu.vector_load %arg10[%swap3A_159] {strides = array<i32>} : memref<5632xf32, #tpu.memory_space<vmem>>, vector<16xf32>,
        tpu.vector_store %arg10[%swap3A_159], %mul3A_156 {strides = array<i32>} : memref<5632xf32, #tpu.memory_space<vmem>>, vector<16xf32>,
        %mul3A_161 = arith.mulf %sub3A_100, %div3A_148 : vector<16xf32>
        %add3A_162 = arith.constant 256 : i32
        %add3A_163 = arith.addi %add3A_153, %add3A_162 : i32
        %swap3A_164 = arith.index_cast %add3A_163 : i32 to index
        %swap3A_165 = tpu.vector_load %arg10[%swap3A_164] {strides = array<i32>} : memref<5632xf32, #tpu.memory_space<vmem>>, vector<16xf32>,
        tpu.vector_store %arg10[%swap3A_164], %mul3A_161 {strides = array<i32>} : memref<5632xf32, #tpu.memory_space<vmem>>, vector<16xf32>,
        %mul3A_166 = arith.constant 128 : i32
        %mul3A_167 = arith.muli %shift_right_arithmetic3A_82, %mul3A_166 : i32
        %mul3A_168 = arith.constant 16 : i32
        %mul3A_169 = arith.muli %and3A_83, %mul3A_168 : i32
        %add3A_170 = arith.addi %mul3A_167, %mul3A_169 : i32
        %swap3A_171 = arith.index_cast %add3A_170 : i32 to index
        %swap3A_172 = tpu.vector_load %arg12[%swap3A_171] {strides = array<i32>} : memref<1408xf32, #tpu.memory_space<vmem>>, vector<16xf32>,
        tpu.vector_store %arg12[%swap3A_171], %mul3A_143 {strides = array<i32>} : memref<1408xf32, #tpu.memory_space<vmem>>, vector<16xf32>,
      }
      %scan3A_76 = arith.constant 8 : i32
      %mul3A_77 = arith.constant 512 : i32
      %mul3A_78 = arith.muli %mul3A_77, %add3A_30 : i32
      "tpu.region"() ({
        %run_scoped3A = tpu.sem_alloc : memref<!tpu.dma_semaphore, #tpu.memory_space<semaphore_mem>>
        %dma_start3A_81 = arith.constant 0 : i32
        %dma_start3A_82 = tpu.memref_slice %arg10[%dma_start3A_81] : memref<5632xf32, #tpu.memory_space<vmem>> -> memref<512xf32, #tpu.memory_space<vmem>>
        %dma_start3A_83 = tpu.memref_slice %arg5[%mul3A_78] : memref<25600000xf32, #tpu.memory_space<hbm>> -> memref<512xf32, #tpu.memory_space<hbm>>
        %dma_start3A_84 = tpu.memref_slice %arg5[%mul3A_78] : memref<25600000xf32, #tpu.memory_space<hbm>> -> memref<512xf32, #tpu.memory_space<hbm>>
        %dma_start3A_85 = arith.constant 0 : i32
        %dma_start3A_86 = tpu.memref_slice %arg10[%dma_start3A_85] : memref<5632xf32, #tpu.memory_space<vmem>> -> memref<512xf32, #tpu.memory_space<vmem>>
        tpu.enqueue_dma source(%dma_start3A_86 : memref<512xf32, #tpu.memory_space<vmem>>) target(%dma_start3A_84 : memref<512xf32, #tpu.memory_space<hbm>>) target_semaphore(%run_scoped3A : memref<!tpu.dma_semaphore, #tpu.memory_space<semaphore_mem>>)
        %dma_wait3A_87 = arith.constant 0 : i32
        %dma_wait3A_88 = tpu.memref_slice %arg10[%dma_wait3A_87] : memref<5632xf32, #tpu.memory_space<vmem>> -> memref<512xf32, #tpu.memory_space<vmem>>
        %dma_wait3A_89 = tpu.memref_slice %arg5[%mul3A_78] : memref<25600000xf32, #tpu.memory_space<hbm>> -> memref<512xf32, #tpu.memory_space<hbm>>
        %dma_wait3A_90 = tpu.memref_slice %arg5[%mul3A_78] : memref<25600000xf32, #tpu.memory_space<hbm>> -> memref<512xf32, #tpu.memory_space<hbm>>
        %dma_wait3A_91 = arith.constant 0 : i32
        %dma_wait3A_92 = tpu.memref_slice %arg10[%dma_wait3A_91] : memref<5632xf32, #tpu.memory_space<vmem>> -> memref<512xf32, #tpu.memory_space<vmem>>
        tpu.wait_dma2 semaphore(%run_scoped3A : memref<!tpu.dma_semaphore, #tpu.memory_space<semaphore_mem>>) src(%dma_wait3A_92 : memref<512xf32, #tpu.memory_space<vmem>>) dst(%dma_wait3A_90 : memref<512xf32, #tpu.memory_space<hbm>>)
        tpu.yield
      }) : () -> ()
      %mul3A_79 = arith.constant 128 : i32
      %mul3A_80 = arith.muli %mul3A_79, %add3A_30 : i32
      "tpu.region"() ({
        %run_scoped3A = tpu.sem_alloc : memref<!tpu.dma_semaphore, #tpu.memory_space<semaphore_mem>>
        %dma_start3A_81 = arith.constant 0 : i32
        %dma_start3A_82 = tpu.memref_slice %arg12[%dma_start3A_81] : memref<1408xf32, #tpu.memory_space<vmem>> -> memref<128xf32, #tpu.memory_space<vmem>>
        %dma_start3A_83 = tpu.memref_slice %arg4[%mul3A_80] : memref<6400000xf32, #tpu.memory_space<hbm>> -> memref<128xf32, #tpu.memory_space<hbm>>
        %dma_start3A_84 = tpu.memref_slice %arg4[%mul3A_80] : memref<6400000xf32, #tpu.memory_space<hbm>> -> memref<128xf32, #tpu.memory_space<hbm>>
        %dma_start3A_85 = arith.constant 0 : i32
        %dma_start3A_86 = tpu.memref_slice %arg12[%dma_start3A_85] : memref<1408xf32, #tpu.memory_space<vmem>> -> memref<128xf32, #tpu.memory_space<vmem>>
        tpu.enqueue_dma source(%dma_start3A_86 : memref<128xf32, #tpu.memory_space<vmem>>) target(%dma_start3A_84 : memref<128xf32, #tpu.memory_space<hbm>>) target_semaphore(%run_scoped3A : memref<!tpu.dma_semaphore, #tpu.memory_space<semaphore_mem>>)
        %dma_wait3A_87 = arith.constant 0 : i32
        %dma_wait3A_88 = tpu.memref_slice %arg12[%dma_wait3A_87] : memref<1408xf32, #tpu.memory_space<vmem>> -> memref<128xf32, #tpu.memory_space<vmem>>
        %dma_wait3A_89 = tpu.memref_slice %arg4[%mul3A_80] : memref<6400000xf32, #tpu.memory_space<hbm>> -> memref<128xf32, #tpu.memory_space<hbm>>
        %dma_wait3A_90 = tpu.memref_slice %arg4[%mul3A_80] : memref<6400000xf32, #tpu.memory_space<hbm>> -> memref<128xf32, #tpu.memory_space<hbm>>
        %dma_wait3A_91 = arith.constant 0 : i32
        %dma_wait3A_92 = tpu.memref_slice %arg12[%dma_wait3A_91] : memref<1408xf32, #tpu.memory_space<vmem>> -> memref<128xf32, #tpu.memory_space<vmem>>
        tpu.wait_dma2 semaphore(%run_scoped3A : memref<!tpu.dma_semaphore, #tpu.memory_space<semaphore_mem>>) src(%dma_wait3A_92 : memref<128xf32, #tpu.memory_space<vmem>>) dst(%dma_wait3A_90 : memref<128xf32, #tpu.memory_space<hbm>>)
        tpu.yield
      }) : () -> ()
    } else {
    }
    return
  }
}

</mosaic_0001>

<sc_bundles>
// kernel: _run.3.cloned.1.call-start
scs
__scs_entry_jumppad:
0x0: {  	(pc) =	sbr.rel $0x88, $3  }
0x1: {  	(tag) =	ssettag $0x0;
	lr =	simm.s32 $0x1  }
0x2: {  	[smem:$0x3F9F] =	sst lr;
	_ =	strace $0xD0000000  }
0x3: {  	_ = 	snop  }
0x4: {  	_ = 	snop  }
0x5: {  	_ = 	snop  }
0x6: {  	_ = 	snop  }
0x7: {  	_ = 	snop  }
__scs_overlays_trampoline_lowered:
0x8: {  	[smem:$0x3FAE] =	sst s0  }
0x9: {  	[smem:$0x3FAF] =	sst s1  }
0xa: {  	[smem:$0x3FB0] =	sst s2  }
0xb: {  	[smem:$0x3FB1] =	sst s3  }
0xc: {  	[smem:$0x3FB2] =	sst s4  }
0xd: {  	[smem:$0x3FB3] =	sst s5  }
0xe: {  	[smem:$0x3FB4] =	sst s6  }
0xf: {  	[smem:$0x3FB5] =	sst s7  }
0x10: {  	[smem:$0x3FB6] =	sst s8  }
0x11: {  	[smem:$0x3FB7] =	sst s9;
	s0 =	simm.s32 @!p0 $0x0  }
0x12: {  	s1 =	sld [smem:$0x3F9D];
	s0 =	simm.s32 @p0 $0x1  }
0x13: {  	[smem:$0x3FB8] =	sst s0;
	s0 =	simm.s32 @!p1 $0x0  }
0x14: {  	s2 =	sld [smem:$0x3F9C];
	s0 =	simm.s32 @p1 $0x1  }
0x15: {  	[smem:$0x3FB9] =	sst s0;
	s0 =	simm.s32 @!p2 $0x0  }
0x16: {  	s3 =	sld [smem:$0x3FDB];
	s0 =	simm.s32 @p2 $0x1  }
0x17: {  	s4 =	simm.s32 $0x1BF5;
	[smem:$0x3FBB] =	sst s0  }
0x18: {  	s0 =	sld [smem:$0x3F9E];
	_ =	swait.ge [sflag:s4], $0x0  }
0x19: {  	s7 =	sld [smem:$0x3F9F]  }
0x1a: {  	s8 =	sadd.s32 $0xFFFFE003, lr  }
0x1b: {  	s9 =	sadd.s32 $0xFFFFFEF7, lr;
	s5 =	simm.s32 $0xFFFFFFFF;
	p2 =	slt.u32 s8, $0xFFFFF086  }
0x1c: {  	p1 =	slt.u32 s9, $0xF7A;
	s5 =	simm.s32 @!p2 $0x0  }
0x1d: {  	s5 =	simm.s32 @p1 $0x1;
	p0 =	seq.s32 s7, s2  }
0x1e: {  	s7 =	smul.u32 @!p0 $0xF7A, s2;
	p2 =	seq.s32 @!p0 s5, $0x0  }
0x1f: {  	s9 =	smul.u32 $0xF7A, s1;
	s8 =	simm.s32 @!p0 $0x1BF5;
	p2 =	por !p2, p0  }
0x20: {  	[sflag:s8] =	ssyncset.s32 @!p0 $0xFFFFF086;
	s6 =	sadd.s32 @!p0 s3, s7;
	s7 =	simm.s32 @!p0 $0x108  }
0x21: {  	s3 =	sadd.s32 s3, s9;
	s6 =	sadd.s32 @!p0 $0x88, s6;
	s7 =	simm.s32 @p2 $0x1082  }
0x22: {  	[simem:s7], [sflag:s8] =	dma.local @!p0 [hbm:s6], $0xF7A  }
0x23: {  	s9 =	sor.u32 $0xD0000000, s2;
	s6 =	simm.s32 $0x108;
	_ =	swait.ge @!p0 [sflag:s8], $0x0  }
0x24: {  	s3 =	sadd.s32 $0x88, s3;
	s6 =	simm.s32 @!p1 $0x1082;
	[sflag:s4] =	ssyncset.s32 $0xFFFFF086  }
0x25: {  	[simem:s6], [sflag:s4] =	dma.local [hbm:s3], $0xF7A  }
0x26: {  	[smem:$0x3F9F] =	sst s1;
	(tag) =	ssettag s2;
	_ =	strace s9  }
0x27: {  	s1 =	sld [smem:$0x3FAF]  }
0x28: {  	s2 =	sld [smem:$0x3FB0]  }
0x29: {  	s4 =	sld [smem:$0x3FB2]  }
0x2a: {  	p0 =	seq.s32 s5, $0x0;
	s5 =	sld [smem:$0x3FB3]  }
0x2b: {  	s6 =	sld [smem:$0x3FB4]  }
0x2c: {  	s7 =	sld [smem:$0x3FB5]  }
0x2d: {  	s3 =	simm.s32 $0x108;
	s8 =	sld [smem:$0x3FB6]  }
0x2e: {  	s3 =	simm.s32 @!p0 $0x1082;
	s9 =	sld [smem:$0x3FB7]  }
0x2f: {  	lr =	sadd.s32 s0, s3;
	s0 =	sld [smem:$0x3FAE]  }
0x30: {  	s3 =	sld [smem:$0x3FB1]  }
0x31: {  	[smem:$0x3FBA] =	sst s10  }
0x32: {  	s10 =	sld [smem:$0x3FB8];
	_ =	sdelay $0x3  }
0x33: {  	p0 =	seq.s32 s10, $0x1;
	s10 =	sld [smem:$0x3FBA];
	_ =	sdelay $0x3  }
0x34: {  	[smem:$0x3FBA] =	sst s10  }
0x35: {  	s10 =	sld [smem:$0x3FB9];
	_ =	sdelay $0x3  }
0x36: {  	p1 =	seq.s32 s10, $0x1;
	s10 =	sld [smem:$0x3FBA];
	_ =	sdelay $0x3  }
0x37: {  	[smem:$0x3FBA] =	sst s10  }
0x38: {  	s10 =	sld [smem:$0x3FBB]  }
0x39: {  	_ = 	snop;
	(pc) =	sbr.ind lr, $3  }
0x3a: {  	_ = 	snop  }
0x3b: {  	_ = 	snop  }
0x3c: {  	p2 =	seq.s32 s10, $0x1;
	s10 =	sld [smem:$0x3FBA]  }
0x3d: {  	_ =	shalt  }
0x3e: {  	_ =	shalt  }
0x3f: {  	_ =	shalt  }
0x40: {  	_ =	shalt  }
0x41: {  	_ =	shalt  }
0x42: {  	_ =	shalt  }
0x43: {  	_ =	shalt  }
0x44: {  	_ =	shalt  }
0x45: {  	_ =	shalt  }
0x46: {  	_ =	shalt  }
0x47: {  	_ =	shalt  }
0x48: {  	_ =	shalt  }
0x49: {  	_ =	shalt  }
0x4a: {  	_ =	shalt  }
0x4b: {  	_ =	shalt  }
0x4c: {  	_ =	shalt  }
0x4d: {  	_ =	shalt  }
0x4e: {  	_ =	shalt  }
0x4f: {  	_ =	shalt  }
0x50: {  	_ =	shalt  }
0x51: {  	_ =	shalt  }
0x52: {  	_ =	shalt  }
0x53: {  	_ =	shalt  }
0x54: {  	_ =	shalt  }
0x55: {  	_ =	shalt  }
0x56: {  	_ =	shalt  }
0x57: {  	_ =	shalt  }
0x58: {  	_ =	shalt  }
0x59: {  	_ =	shalt  }
0x5a: {  	_ =	shalt  }
0x5b: {  	_ =	shalt  }
0x5c: {  	_ =	shalt  }
0x5d: {  	_ =	shalt  }
0x5e: {  	_ =	shalt  }
0x5f: {  	_ =	shalt  }
0x60: {  	_ =	shalt  }
0x61: {  	_ =	shalt  }
0x62: {  	_ =	shalt  }
0x63: {  	_ =	shalt  }
0x64: {  	_ =	shalt  }
0x65: {  	_ =	shalt  }
0x66: {  	_ =	shalt  }
0x67: {  	_ =	shalt  }
0x68: {  	_ =	shalt  }
0x69: {  	_ =	shalt  }
0x6a: {  	_ =	shalt  }
0x6b: {  	_ =	shalt  }
0x6c: {  	_ =	shalt  }
0x6d: {  	_ =	shalt  }
0x6e: {  	_ =	shalt  }
0x6f: {  	_ =	shalt  }
0x70: {  	_ =	shalt  }
0x71: {  	_ =	shalt  }
0x72: {  	_ =	shalt  }
0x73: {  	_ =	shalt  }
0x74: {  	_ =	shalt  }
0x75: {  	_ =	shalt  }
0x76: {  	_ =	shalt  }
0x77: {  	_ =	shalt  }
0x78: {  	_ =	shalt  }
0x79: {  	_ =	shalt  }
0x7a: {  	_ =	shalt  }
0x7b: {  	_ =	shalt  }
0x7c: {  	_ =	shalt  }
0x7d: {  	_ =	shalt  }
0x7e: {  	_ =	shalt  }
0x7f: {  	_ =	shalt  }
0x80: {  	_ =	shalt  }
0x81: {  	_ =	shalt  }
0x82: {  	_ =	shalt  }
0x83: {  	_ =	shalt  }
0x84: {  	_ =	shalt  }
0x85: {  	_ =	shalt  }
0x86: {  	_ =	shalt  }
0x87: {  	_ =	shalt  }
.Lfunc_end0:
.L_simem_size_0:
called_computation_lowered:
.L_overlay_start_0:
0x88: {  	s2 =	sld [smem:$0x3FD9]  }
0x89: {  	s3 =	sld [smem:$0x3FFE];
	_ =	sdelay $0x1  }
0x8a: {  	s1 =	srdreg.scid  }
0x8b: {  	s0 =	sand.u32 $0x1, s1  }
0x8c: {  	s14 =	sshll.u32 s0, $0xA;
	s2 =	sadd.s32 s3, s2  }
0x8d: {  	s2 =	sadd.s32 s2, s14  }
0x8e: {  	[smem:$0x3FC6] =	sst s2  }
0x8f: {  	_ = 	snop  }
0x90: {  	s2 =	sld [smem:$0x3FD0];
	_ =	sdelay $0x2  }
0x91: {  	s4 =	simm.s32 $0xA;
	s5 =	simm.s32 $0x10;
	s15 =	sld [smem:$0x3FC8]  }
0x92: {  	[smem:s5], [sflag:s4] =	dma.local [hbm:s2], $0x1  }
0x93: {  	_ =	swait.eq [sflag:s4], $0x1  }
0x94: {  	[sflag:s4] =	ssyncset.done $0x0  }
0x95: {  	s16 =	sld [smem:$0x10];
	[sflag:s4] =	ssyncadd.s32 $0xFFFFFFFF  }
0x96: {  	s17 =	sld [smem:$0x11];
	(tm) =	ssettm $0x1  }
0x97: {  	s18 =	sld [smem:$0x3FFB];
	_ =	sdelay $0x3  }
0x98: {  	_ =	strace s18  }
0x99: {  	s5 =	sld [smem:$0x3FFC];
	_ =	sdelay $0x3  }
0x9a: {  	_ =	strace s5  }
0x9b: {  	s5 =	sld [smem:$0x3FFD];
	_ =	sdelay $0x3  }
0x9c: {  	_ =	strace s5  }
0x9d: {  	_ =	strace $0x8FFFFFFF  }
0x9e: {  	s19 =	sld [smem:$0x3FDB];
	_ =	sdelay $0x1  }
0x9f: {  	s6 =	simm.s32 $_scs_section_size  }
0xa0: {  	s7 =	simm.s32 $_size__tile_overlayer_lowered;
	s8 =	simm.s32 $_tile_overlayer_lowered  }
0xa1: {  	s22 =	simm.s32 $0x1BFF;
	s21 =	sshll.u32 s8, $0x1;
	s5 =	sadd.s32 s6, s19  }
0xa2: {  	s9 =	simm.s32 $0x0;
	s20 =	sshll.u32 s7, $0x1;
	s7 =	sadd.s32 s21, s5  }
0xa3: {  	[timem:s9], [sflag:s22] =	dma.local [hbm:s7], s20  }
0xa4: {  	_ =	swait.ge [sflag:s22], s20  }
0xa5: {  	s6 =	ssub.s32 $0x0, s20;
	[sflag:s22] =	ssyncset.done $0x0  }
0xa6: {  	[sflag:s22] =	ssyncadd.s32 s6;
	_ =	sdelay $0x1  }
0xa7: {  	s23 =	simm.s32 $0x1B8B  }
0xa8: {  	_ =	swait.ge [sflag:s23], $0x1  }
0xa9: {  	[sflag:s23] =	ssyncset.done $0x0  }
0xaa: {  	s25 =	simm.s32 $0x1B8E;
	s24 =	sld [smem:$0x3FFE];
	[sflag:s23] =	ssyncadd.s32 $0xFFFFFFFF  }
0xab: {  	s26 =	simm.s32 $execute0_lowered;
	[smem:$0x3FD2] =	sst s25  }
0xac: {  	s7 =	sshll.u32 s26, $0x1;
	_ =	strace $0x80000046;
	[dreg:$0x1] =	wrdreg $0xFFFFFFFF  }
0xad: {  	s28 =	simm.s32 $_size_execute0_lowered;
	s5 =	sadd.s32 s5, s7;
	[dreg:$0x0] =	wrdreg $0x0  }
0xae: {  	s7 =	sshll.u32 s28, $0x1;
	[dreg:$0x2] =	wrdreg s5  }
0xaf: {  	[dreg:$0x3] =	wrdreg s7  }
0xb0: {  	[dreg:$0x4] =	wrdreg $0xC0  }
0xb1: {  	_ =	task [dreg:s9], $0x5FFFF  }
0xb2: {  	[dreg:$0x1] =	wrdreg $0xFFFFFFFF  }
0xb3: {  	[dreg:$0x0] =	wrdreg $0x60  }
0xb4: {  	[dreg:$0x2] =	wrdreg s24  }
0xb5: {  	[dreg:$0x3] =	wrdreg s15  }
0xb6: {  	[dreg:$0x4] =	wrdreg s16  }
0xb7: {  	[dreg:$0x5] =	wrdreg s17  }
0xb8: {  	[dreg:$0x6] =	wrdreg $0x9  }
0xb9: {  	_ =	task.clear_ibuf [dreg:s9], $0x7FFFF;
	_ =	strace $0x90000046  }
0xba: {  	s29 =	simm.s32 $0x9;
	_ =	strace $0x80000048  }
0xbb: {  	_ =	swait.ge [sflag:s29], $0x1  }
0xbc: {  	[sflag:s29] =	ssyncadd.s32 $0xFFFFFFFF  }
0xbd: {  	_ =	strace $0x90000048  }
0xbe: {  	_ =	sfence  }
0xbf: {  	s30 =	sld [smem:$0x0];
	_ =	sdelay $0x2  }
0xc0: {  	s31 =	sshll.u32 s1, $0xD;
	s1 =	sshrl.u32 s1, $0x2  }
0xc1: {  	s3 =	sand.u32 $0x4000, s31;
	s1 =	sadd.s32 s1, s30  }
0xc2: {  	s0 =	sor.u32 s3, s0;
	s1 =	sshll.u32 s1, $0x11  }
0xc3: {  	s0 =	sor.u32 s1, s0  }
0xc4: {  	s0 =	sadd.s32 $0x8F2B, s0  }
0xc5: {  	[sflag:s0] =	ssyncadd.remote.s32 $0x1  }
0xc6: {  	_ =	sfence.sel $0xFFFF  }
0xc7: {  	[dreg:$0x0] =	wrdreg $0xFFFFFFFF;
	(pc) =	sbr.abs _section_cstart, $3  }
0xc8: {  	[dreg:$0x1] =	wrdreg $0xFFFFFFFF  }
0xc9: {  	_ =	task.clear_ibuf [dreg:s9], $0x2FFFF;
	_ =	strace $0x9FFFFFFF  }
0xca: {  	(tm) =	ssettm $0x7FFFFFFF  }
0xcb: {  	_ =	shalt  }
tec
execute0_lowered:
.L_overlay_start_1:
0x0: {  	(tag) =	ssettag $0x1  }
0x1: {  	s0 =	rddreg [dreg:$0x0]  }
0x2: {  	s1 =	rddreg [dreg:$0x1]  }
0x3: {  	s3 =	rddreg [dreg:$0x2]  }
0x4: {  	s2 =	srdreg.scid;
	s12 =	stileid.u32  }
0x5: {  	s4 =	rddreg [dreg:$0x3];
	s5 =	simm.s32 $0x0;
	s15 =	simm.s32 $0x5  }
0x6: {  	s16 =	simm.s32 $0x80;
	s17 =	simm.s32 $0x1600;
	s21 =	simm.s32 $0xB00  }
0x7: {  	s28 =	simm.s32 $0x1;
	s29 =	simm.s32 $0xC600;
	s30 =	simm.s32 $0xF200  }
0x8: {  	s31 =	simm.s32 $0x2;
	s2 =	sand.u32 $0x1, s2;
	s6 =	sshll.u32 s12, $0x1  }
0x9: {  	s18 =	simm.s32 $0xDC00;
	[smem:$0x7FF] =	sst s5;
	s6 =	sor.u32 s2, s6  }
0xa: {  	p0 =	sgt.u32 s12, $0x7;
	s2 =	ssub.s32 $0x2, s2;
	s7 =	smul.u32 $0x61A, s6  }
0xb: {  	_ =	strace $0x80000047;
	s8 =	smin.u32 s6, $0x10;
	s22 =	sshrl.u32 s2, $0x1  }
0xc: {  	s6 =	sadd.s32 $0x187200, s0;
	s0 =	ssub.s32 s2, s22;
	s7 =	sadd.s32 s8, s7  }
0xd: {  	s22 =	simm.s32 $0x6E00;
	s0 =	smax.u32 s0, $0x1;
	s23 =	sshll.u32 s7, $0x5  }
0xe: {  	s9 =	sadd.s32 $0x61A, s7;
	s10 =	sadd.s32 $0x16, s7;
	[dreg:$0xa] =	wrdreg s0  }
0xf: {  	s8 =	sadd.s32 $0xB, s7;
	s0 =	simm.s32 $0x3;
	[dreg:$0x5] =	wrdreg s10  }
0x10: {  	s24 =	sshll.u32 s9, $0x5;
	s11 =	sshll.u32 s9, $0x6;
	s9 =	sshll.u32 s9, $0x4  }
.Ltmp0:
0x11: {  	s2 =	sadd.s32 s1, s23;
	s10 =	sand.u32 $0x1FFFFFE0, s24;
	(pc) =	sbr.rel .LBB2_1-.Ltmp0, $4  }
0x12: {  	v0 =	vlaneseq.u32;
	[dreg:$0x6] =	wrdreg s2;
	s25 =	sand.u32 $0x1FFFFFC0, s11;
	s10 =	sadd.s32 s1, s10  }
0x13: {  	v0 =	vmul.u32 $0x8, v0;
	s9 =	sand.u32 $0x1FFFFFF0, s9;
	s2 =	sadd.s32 s4, s25;
	[dreg:$0x7] =	wrdreg s10  }
0x14: {  	s11 =	simm.s32 $0x4;
	s26 =	sadd.s32 s3, s9;
	[dreg:$0x8] =	wrdreg s2  }
0x15: {  	v1 =	vor.u32 $0x400, v0;
	[dreg:$0x9] =	wrdreg s26;
	s2 =	simm.s32 $0xF780;
	s10 =	simm.s32 $0x0  }
.LBB2_13:
0x16: {  	s10 =	sadd.s32 $0x1, s10;
	s9 =	rddreg [dreg:$0xa]  }
0x17: {  	p1 =	sne.s32 s10, s9  }
.Ltmp1:
0x18: {  	_ = 	snop;
	(pc) =	sbr.rel @!p1 .LBB2_14-.Ltmp1, $1  }
0x19: {  	_ =	sdelay $0x3  }
.LBB2_1:
0x1a: {  	[dreg:$0xb] =	wrdreg s10  }
0x1b: {  	s9 =	rddreg [dreg:$0x6]  }
0x1c: {  	[tilespmem:s5], [sflag:$0x5] =	stream.linear.gather [hbm4b:s9+s5], $0xB00, $0x38;
	[tilespmem:$0xFD00] =	vst v63  }
0x1d: {  	_ =	swait.ge [sflag:s15], $0xB00  }
0x1e: {  	[sflag:s15] =	ssyncset.done $0x0  }
0x1f: {  	[sflag:s15] =	ssyncadd.s32 $0xFFFFF500  }
0x20: {  	[tilespmem:s17], [sflag:$0x1] =	stream.indirect.gather [hbm4b:s6+s16], $0x4, s5, s16, $0xb8;
	[tilespmem:$0xFD00] =	vst v63  }
0x21: {  	s26 =	simm.s32 $0x1A00  }
0x22: {  	[tilespmem:s26], [sflag:$0x1] =	stream.indirect.gather [hbm4b:s6+s16], $0x4, s16, s16, $0xb8;
	[tilespmem:$0xFD00] =	vst v63  }
0x23: {  	s10 =	simm.s32 $0x100;
	s12 =	simm.s32 $0x1E00  }
0x24: {  	[tilespmem:s12], [sflag:$0x1] =	stream.indirect.gather [hbm4b:s6+s16], $0x4, s10, s16, $0xb8;
	[tilespmem:$0xFD00] =	vst v63  }
0x25: {  	s13 =	simm.s32 $0x180;
	s14 =	simm.s32 $0x2200  }
0x26: {  	[tilespmem:s14], [sflag:$0x1] =	stream.indirect.gather [hbm4b:s6+s16], $0x4, s13, s16, $0xb8;
	[tilespmem:$0xFD00] =	vst v63  }
0x27: {  	s19 =	simm.s32 $0x200;
	s20 =	simm.s32 $0x2600  }
0x28: {  	[tilespmem:s20], [sflag:$0x1] =	stream.indirect.gather [hbm4b:s6+s16], $0x4, s19, s16, $0xb8;
	[tilespmem:$0xFD00] =	vst v63  }
0x29: {  	s23 =	simm.s32 $0x280;
	s24 =	simm.s32 $0x2A00  }
0x2a: {  	[tilespmem:s24], [sflag:$0x1] =	stream.indirect.gather [hbm4b:s6+s16], $0x4, s23, s16, $0xb8;
	[tilespmem:$0xFD00] =	vst v63  }
0x2b: {  	s25 =	simm.s32 $0x300;
	s26 =	simm.s32 $0x2E00  }
0x2c: {  	[tilespmem:s26], [sflag:$0x1] =	stream.indirect.gather [hbm4b:s6+s16], $0x4, s25, s16, $0xb8;
	[tilespmem:$0xFD00] =	vst v63  }
0x2d: {  	s10 =	simm.s32 $0x380;
	s12 =	simm.s32 $0x3200  }
0x2e: {  	[tilespmem:s12], [sflag:$0x1] =	stream.indirect.gather [hbm4b:s6+s16], $0x4, s10, s16, $0xb8;
	[tilespmem:$0xFD00] =	vst v63  }
0x2f: {  	s13 =	simm.s32 $0x400;
	s14 =	simm.s32 $0x3600  }
0x30: {  	[tilespmem:s14], [sflag:$0x1] =	stream.indirect.gather [hbm4b:s6+s16], $0x4, s13, s16, $0xb8;
	[tilespmem:$0xFD00] =	vst v63  }
0x31: {  	s19 =	simm.s32 $0x480;
	s20 =	simm.s32 $0x3A00  }
0x32: {  	[tilespmem:s20], [sflag:$0x1] =	stream.indirect.gather [hbm4b:s6+s16], $0x4, s19, s16, $0xb8;
	[tilespmem:$0xFD00] =	vst v63  }
0x33: {  	s23 =	simm.s32 $0x500;
	s24 =	simm.s32 $0x3E00  }
0x34: {  	[tilespmem:s24], [sflag:$0x1] =	stream.indirect.gather [hbm4b:s6+s16], $0x4, s23, s16, $0xb8;
	[tilespmem:$0xFD00] =	vst v63  }
0x35: {  	s25 =	simm.s32 $0x580;
	s26 =	simm.s32 $0x4200  }
0x36: {  	[tilespmem:s26], [sflag:$0x1] =	stream.indirect.gather [hbm4b:s6+s16], $0x4, s25, s16, $0xb8;
	[tilespmem:$0xFD00] =	vst v63  }
0x37: {  	s10 =	simm.s32 $0x600;
	s12 =	simm.s32 $0x4600  }
0x38: {  	[tilespmem:s12], [sflag:$0x1] =	stream.indirect.gather [hbm4b:s6+s16], $0x4, s10, s16, $0xb8;
	[tilespmem:$0xFD00] =	vst v63  }
0x39: {  	s13 =	simm.s32 $0x680;
	s14 =	simm.s32 $0x4A00  }
0x3a: {  	[tilespmem:s14], [sflag:$0x1] =	stream.indirect.gather [hbm4b:s6+s16], $0x4, s13, s16, $0xb8;
	[tilespmem:$0xFD00] =	vst v63  }
0x3b: {  	s19 =	simm.s32 $0x700;
	s20 =	simm.s32 $0x4E00  }
0x3c: {  	[tilespmem:s20], [sflag:$0x1] =	stream.indirect.gather [hbm4b:s6+s16], $0x4, s19, s16, $0xb8;
	[tilespmem:$0xFD00] =	vst v63  }
0x3d: {  	s23 =	simm.s32 $0x780;
	s24 =	simm.s32 $0x5200  }
0x3e: {  	[tilespmem:s24], [sflag:$0x1] =	stream.indirect.gather [hbm4b:s6+s16], $0x4, s23, s16, $0xb8;
	[tilespmem:$0xFD00] =	vst v63  }
0x3f: {  	s25 =	simm.s32 $0x800;
	s26 =	simm.s32 $0x5600  }
0x40: {  	[tilespmem:s26], [sflag:$0x1] =	stream.indirect.gather [hbm4b:s6+s16], $0x4, s25, s16, $0xb8;
	[tilespmem:$0xFD00] =	vst v63  }
0x41: {  	s10 =	simm.s32 $0x880;
	s12 =	simm.s32 $0x5A00  }
0x42: {  	[tilespmem:s12], [sflag:$0x1] =	stream.indirect.gather [hbm4b:s6+s16], $0x4, s10, s16, $0xb8;
	[tilespmem:$0xFD00] =	vst v63  }
0x43: {  	s13 =	simm.s32 $0x900;
	s14 =	simm.s32 $0x5E00  }
0x44: {  	[tilespmem:s14], [sflag:$0x1] =	stream.indirect.gather [hbm4b:s6+s16], $0x4, s13, s16, $0xb8;
	[tilespmem:$0xFD00] =	vst v63  }
0x45: {  	s19 =	simm.s32 $0x980;
	s20 =	simm.s32 $0x6200  }
0x46: {  	[tilespmem:s20], [sflag:$0x1] =	stream.indirect.gather [hbm4b:s6+s16], $0x4, s19, s16, $0xb8;
	[tilespmem:$0xFD00] =	vst v63  }
0x47: {  	s23 =	simm.s32 $0xA00;
	s24 =	simm.s32 $0x6600  }
0x48: {  	[tilespmem:s24], [sflag:$0x1] =	stream.indirect.gather [hbm4b:s6+s16], $0x4, s23, s16, $0xb8;
	[tilespmem:$0xFD00] =	vst v63  }
0x49: {  	s25 =	simm.s32 $0xA80;
	s26 =	simm.s32 $0x6A00;
	s12 =	simm.s32 $0x0  }
0x4a: {  	[tilespmem:s26], [sflag:$0x1] =	stream.indirect.gather [hbm4b:s6+s16], $0x4, s25, s16, $0xb8;
	[tilespmem:$0xFD00] =	vst v63  }
.LBB2_2:
0x4b: {  	s10 =	smul.u32 $0x16, s12;
	_ =	sdelay $0x1  }
0x4c: {  	s13 =	sadd.s32 s10, s8  }
0x4d: {  	s9 =	sshll.u32 s13, $0x5  }
0x4e: {  	s9 =	sand.u32 $0x1FFFFFE0, s9  }
0x4f: {  	s14 =	sadd.s32 s1, s9;
	s9 =	simm.s32 $0x0  }
0x50: {  	[tilespmem:s21], [sflag:$0x5] =	stream.linear.gather [hbm4b:s14+s9], $0xB00, $0x38;
	[tilespmem:$0xFD00] =	vst v63  }
0x51: {  	_ =	swait.ge [sflag:s15], $0xB00  }
0x52: {  	[sflag:s15] =	ssyncset.done $0x0  }
0x53: {  	[sflag:s15] =	ssyncadd.s32 $0xFFFFF500  }
0x54: {  	[tilespmem:s22], [sflag:$0x2] =	stream.indirect.gather [hbm4b:s6+s16], $0x4, s21, s16, $0xb8;
	[tilespmem:$0xFD00] =	vst v63  }
0x55: {  	s24 =	simm.s32 $0xB80;
	s19 =	simm.s32 $0x7200  }
0x56: {  	[tilespmem:s19], [sflag:$0x2] =	stream.indirect.gather [hbm4b:s6+s16], $0x4, s24, s16, $0xb8;
	[tilespmem:$0xFD00] =	vst v63  }
0x57: {  	s25 =	simm.s32 $0xC00;
	s26 =	simm.s32 $0x7600  }
0x58: {  	[tilespmem:s26], [sflag:$0x2] =	stream.indirect.gather [hbm4b:s6+s16], $0x4, s25, s16, $0xb8;
	[tilespmem:$0xFD00] =	vst v63  }
0x59: {  	s20 =	simm.s32 $0x7A00;
	s19 =	simm.s32 $0xC80  }
0x5a: {  	[tilespmem:s20], [sflag:$0x2] =	stream.indirect.gather [hbm4b:s6+s16], $0x4, s19, s16, $0xb8;
	[tilespmem:$0xFD00] =	vst v63  }
0x5b: {  	s23 =	simm.s32 $0xD00;
	s24 =	simm.s32 $0x7E00  }
0x5c: {  	[tilespmem:s24], [sflag:$0x2] =	stream.indirect.gather [hbm4b:s6+s16], $0x4, s23, s16, $0xb8;
	[tilespmem:$0xFD00] =	vst v63  }
0x5d: {  	s25 =	simm.s32 $0xD80;
	s26 =	simm.s32 $0x8200  }
0x5e: {  	[tilespmem:s26], [sflag:$0x2] =	stream.indirect.gather [hbm4b:s6+s16], $0x4, s25, s16, $0xb8;
	[tilespmem:$0xFD00] =	vst v63  }
0x5f: {  	s19 =	simm.s32 $0xE00;
	s20 =	simm.s32 $0x8600  }
0x60: {  	[tilespmem:s20], [sflag:$0x2] =	stream.indirect.gather [hbm4b:s6+s16], $0x4, s19, s16, $0xb8;
	[tilespmem:$0xFD00] =	vst v63  }
0x61: {  	s23 =	simm.s32 $0xE80;
	s24 =	simm.s32 $0x8A00  }
0x62: {  	[tilespmem:s24], [sflag:$0x2] =	stream.indirect.gather [hbm4b:s6+s16], $0x4, s23, s16, $0xb8;
	[tilespmem:$0xFD00] =	vst v63  }
0x63: {  	s25 =	simm.s32 $0xF00;
	s26 =	simm.s32 $0x8E00  }
0x64: {  	[tilespmem:s26], [sflag:$0x2] =	stream.indirect.gather [hbm4b:s6+s16], $0x4, s25, s16, $0xb8;
	[tilespmem:$0xFD00] =	vst v63  }
0x65: {  	s19 =	simm.s32 $0xF80;
	s20 =	simm.s32 $0x9200  }
0x66: {  	[tilespmem:s20], [sflag:$0x2] =	stream.indirect.gather [hbm4b:s6+s16], $0x4, s19, s16, $0xb8;
	[tilespmem:$0xFD00] =	vst v63  }
0x67: {  	s23 =	simm.s32 $0x1000;
	s24 =	simm.s32 $0x9600  }
0x68: {  	[tilespmem:s24], [sflag:$0x2] =	stream.indirect.gather [hbm4b:s6+s16], $0x4, s23, s16, $0xb8;
	[tilespmem:$0xFD00] =	vst v63  }
0x69: {  	s25 =	simm.s32 $0x1080;
	s26 =	simm.s32 $0x9A00  }
0x6a: {  	[tilespmem:s26], [sflag:$0x2] =	stream.indirect.gather [hbm4b:s6+s16], $0x4, s25, s16, $0xb8;
	[tilespmem:$0xFD00] =	vst v63  }
0x6b: {  	s19 =	simm.s32 $0x1100;
	s20 =	simm.s32 $0x9E00  }
0x6c: {  	[tilespmem:s20], [sflag:$0x2] =	stream.indirect.gather [hbm4b:s6+s16], $0x4, s19, s16, $0xb8;
	[tilespmem:$0xFD00] =	vst v63  }
0x6d: {  	s23 =	simm.s32 $0x1180;
	s24 =	simm.s32 $0xA200  }
0x6e: {  	[tilespmem:s24], [sflag:$0x2] =	stream.indirect.gather [hbm4b:s6+s16], $0x4, s23, s16, $0xb8;
	[tilespmem:$0xFD00] =	vst v63  }
0x6f: {  	s25 =	simm.s32 $0x1200;
	s26 =	simm.s32 $0xA600  }
0x70: {  	[tilespmem:s26], [sflag:$0x2] =	stream.indirect.gather [hbm4b:s6+s16], $0x4, s25, s16, $0xb8;
	[tilespmem:$0xFD00] =	vst v63  }
0x71: {  	s19 =	simm.s32 $0x1280;
	s20 =	simm.s32 $0xAA00  }
0x72: {  	[tilespmem:s20], [sflag:$0x2] =	stream.indirect.gather [hbm4b:s6+s16], $0x4, s19, s16, $0xb8;
	[tilespmem:$0xFD00] =	vst v63  }
0x73: {  	s23 =	simm.s32 $0x1300;
	s24 =	simm.s32 $0xAE00  }
0x74: {  	[tilespmem:s24], [sflag:$0x2] =	stream.indirect.gather [hbm4b:s6+s16], $0x4, s23, s16, $0xb8;
	[tilespmem:$0xFD00] =	vst v63  }
0x75: {  	s25 =	simm.s32 $0x1380;
	s26 =	simm.s32 $0xB200  }
0x76: {  	[tilespmem:s26], [sflag:$0x2] =	stream.indirect.gather [hbm4b:s6+s16], $0x4, s25, s16, $0xb8;
	[tilespmem:$0xFD00] =	vst v63  }
0x77: {  	s19 =	simm.s32 $0x1400;
	s20 =	simm.s32 $0xB600  }
0x78: {  	[tilespmem:s20], [sflag:$0x2] =	stream.indirect.gather [hbm4b:s6+s16], $0x4, s19, s16, $0xb8;
	[tilespmem:$0xFD00] =	vst v63  }
0x79: {  	s23 =	simm.s32 $0x1480;
	s24 =	simm.s32 $0xBA00  }
0x7a: {  	[tilespmem:s24], [sflag:$0x2] =	stream.indirect.gather [hbm4b:s6+s16], $0x4, s23, s16, $0xb8;
	[tilespmem:$0xFD00] =	vst v63  }
0x7b: {  	s25 =	simm.s32 $0x1500;
	s26 =	simm.s32 $0xBE00  }
0x7c: {  	[tilespmem:s26], [sflag:$0x2] =	stream.indirect.gather [hbm4b:s6+s16], $0x4, s25, s16, $0xb8;
	[tilespmem:$0xFD00] =	vst v63  }
0x7d: {  	s20 =	simm.s32 $0x1580;
	s23 =	simm.s32 $0xC200  }
0x7e: {  	[tilespmem:s23], [sflag:$0x2] =	stream.indirect.gather [hbm4b:s6+s16], $0x4, s20, s16, $0xb8;
	[tilespmem:$0xFD00] =	vst v63  }
0x7f: {  	_ =	swait.ge [sflag:s28], $0x200  }
0x80: {  	[sflag:s28] =	ssyncset.done $0x0  }
0x81: {  	[sflag:s28] =	ssyncadd.s32 $0xFFFFFE00  }
0x82: {  	_ =	swait.ge [sflag:s28], $0x200  }
0x83: {  	[sflag:s28] =	ssyncset.done $0x0  }
0x84: {  	[sflag:s28] =	ssyncadd.s32 $0xFFFFFE00  }
0x85: {  	_ =	swait.ge [sflag:s28], $0x200  }
0x86: {  	[sflag:s28] =	ssyncset.done $0x0  }
0x87: {  	[sflag:s28] =	ssyncadd.s32 $0xFFFFFE00  }
0x88: {  	_ =	swait.ge [sflag:s28], $0x200  }
0x89: {  	[sflag:s28] =	ssyncset.done $0x0  }
0x8a: {  	[sflag:s28] =	ssyncadd.s32 $0xFFFFFE00  }
0x8b: {  	_ =	swait.ge [sflag:s28], $0x200  }
0x8c: {  	[sflag:s28] =	ssyncset.done $0x0  }
0x8d: {  	[sflag:s28] =	ssyncadd.s32 $0xFFFFFE00  }
0x8e: {  	_ =	swait.ge [sflag:s28], $0x200  }
0x8f: {  	[sflag:s28] =	ssyncset.done $0x0  }
0x90: {  	[sflag:s28] =	ssyncadd.s32 $0xFFFFFE00  }
0x91: {  	_ =	swait.ge [sflag:s28], $0x200  }
0x92: {  	[sflag:s28] =	ssyncset.done $0x0  }
0x93: {  	[sflag:s28] =	ssyncadd.s32 $0xFFFFFE00  }
0x94: {  	_ =	swait.ge [sflag:s28], $0x200  }
0x95: {  	[sflag:s28] =	ssyncset.done $0x0  }
0x96: {  	[sflag:s28] =	ssyncadd.s32 $0xFFFFFE00  }
0x97: {  	_ =	swait.ge [sflag:s28], $0x200  }
0x98: {  	[sflag:s28] =	ssyncset.done $0x0  }
0x99: {  	[sflag:s28] =	ssyncadd.s32 $0xFFFFFE00  }
0x9a: {  	_ =	swait.ge [sflag:s28], $0x200  }
0x9b: {  	[sflag:s28] =	ssyncset.done $0x0  }
0x9c: {  	[sflag:s28] =	ssyncadd.s32 $0xFFFFFE00  }
0x9d: {  	_ =	swait.ge [sflag:s28], $0x200  }
0x9e: {  	[sflag:s28] =	ssyncset.done $0x0  }
0x9f: {  	[sflag:s28] =	ssyncadd.s32 $0xFFFFFE00  }
0xa0: {  	_ =	swait.ge [sflag:s28], $0x200  }
0xa1: {  	[sflag:s28] =	ssyncset.done $0x0  }
0xa2: {  	[sflag:s28] =	ssyncadd.s32 $0xFFFFFE00  }
0xa3: {  	_ =	swait.ge [sflag:s28], $0x200  }
0xa4: {  	[sflag:s28] =	ssyncset.done $0x0  }
0xa5: {  	[sflag:s28] =	ssyncadd.s32 $0xFFFFFE00  }
0xa6: {  	_ =	swait.ge [sflag:s28], $0x200  }
0xa7: {  	[sflag:s28] =	ssyncset.done $0x0  }
0xa8: {  	[sflag:s28] =	ssyncadd.s32 $0xFFFFFE00  }
0xa9: {  	_ =	swait.ge [sflag:s28], $0x200  }
0xaa: {  	[sflag:s28] =	ssyncset.done $0x0  }
0xab: {  	[sflag:s28] =	ssyncadd.s32 $0xFFFFFE00  }
0xac: {  	_ =	swait.ge [sflag:s28], $0x200  }
0xad: {  	[sflag:s28] =	ssyncset.done $0x0  }
0xae: {  	[sflag:s28] =	ssyncadd.s32 $0xFFFFFE00  }
0xaf: {  	_ =	swait.ge [sflag:s28], $0x200  }
0xb0: {  	[sflag:s28] =	ssyncset.done $0x0  }
0xb1: {  	[sflag:s28] =	ssyncadd.s32 $0xFFFFFE00  }
0xb2: {  	_ =	swait.ge [sflag:s28], $0x200  }
0xb3: {  	[sflag:s28] =	ssyncset.done $0x0  }
0xb4: {  	[sflag:s28] =	ssyncadd.s32 $0xFFFFFE00  }
0xb5: {  	_ =	swait.ge [sflag:s28], $0x200  }
0xb6: {  	[sflag:s28] =	ssyncset.done $0x0  }
0xb7: {  	[sflag:s28] =	ssyncadd.s32 $0xFFFFFE00  }
0xb8: {  	s9 =	sand.u32 $0x70, s9;
	s24 =	simm.s32 $0x0;
	_ =	swait.ge [sflag:s28], $0x200  }
0xb9: {  	s14 =	sor.u32 s9, s24;
	[sflag:s28] =	ssyncset.done $0x0  }
0xba: {  	v2 =	vmov s14;
	[sflag:s28] =	ssyncadd.s32 $0xFFFFFE00  }
0xbb: {  	v2 =	vshll.u32 v2, $0x3;
	_ =	swait.ge [sflag:s28], $0x200  }
0xbc: {  	v3 =	vor.u32 v0, v2;
	[sflag:s28] =	ssyncset.done $0x0  }
0xbd: {  	v2 =	vor.u32 v1, v2;
	[sflag:s28] =	ssyncadd.s32 $0xFFFFFE00  }
0xbe: {  	v4 =	vor.u32 $0x1, v3;
	_ =	swait.ge [sflag:s28], $0x200  }
0xbf: {  	v5 =	vor.u32 $0x1, v2;
	[sflag:s28] =	ssyncset.done $0x0  }
0xc0: {  	v6 =	vor.u32 $0x2, v3;
	[sflag:s28] =	ssyncadd.s32 $0xFFFFFE00  }
0xc1: {  	v7 =	vor.u32 $0x2, v2;
	v3 =	vld.idx.msk [tilespmem:v3+s17+$0x0], $0xffff  }
0xc2: {  	v2 =	vld.idx.msk [tilespmem:v2+s17+$0x0], $0xffff  }
0xc3: {  	v4 =	vld.idx.msk [tilespmem:v4+s17+$0x0], $0xffff  }
0xc4: {  	v5 =	vld.idx.msk [tilespmem:v5+s17+$0x0], $0xffff  }
0xc5: {  	v6 =	vld.idx.msk [tilespmem:v6+s17+$0x0], $0xffff  }
0xc6: {  	v7 =	vld.idx.msk [tilespmem:v7+s17+$0x0], $0xffff;
	_ =	sdelay $0x2  }
0xc7: {  	v8 =	vsub.f32 v3, v2;
	v4 =	vsub.f32 v4, v5;
	_ =	sdelay $0x1  }
0xc8: {  	v2 =	vsub.f32 v6, v7;
	v3 =	vmul.f32 v8, v8;
	v5 =	vmul.f32 v4, v4;
	_ =	sdelay $0x1  }
0xc9: {  	v3 =	vadd.f32 v5, v3;
	v5 =	vmul.f32 v2, v2;
	_ =	sdelay $0x1  }
0xca: {  	v3 =	vadd.f32 v5, v3;
	_ =	sdelay $0x1  }
0xcb: {  	v3 =	vadd.f32 $9.999999970e-07, v3;
	_ =	sdelay $0x1  }
0xcc: {  	v5 =	vshra.s32 v3, $0x1;
	v6 =	vmul.f32 $5.000000000e-01, v3  }
0xcd: {  	v5 =	vsub.s32 $0x5F3759DF, v5  }
0xce: {  	v7 =	vmul.f32 v5, v6;
	_ =	sdelay $0x1  }
0xcf: {  	v7 =	vmul.f32 v5, v7;
	_ =	sdelay $0x1  }
0xd0: {  	v7 =	vsub.f32 $1.500000000e+00, v7;
	_ =	sdelay $0x1  }
0xd1: {  	v5 =	vmul.f32 v5, v7;
	_ =	sdelay $0x1  }
0xd2: {  	v7 =	vmul.f32 v5, v6;
	_ =	sdelay $0x1  }
0xd3: {  	v7 =	vmul.f32 v7, v5;
	_ =	sdelay $0x1  }
0xd4: {  	v7 =	vsub.f32 $1.500000000e+00, v7;
	_ =	sdelay $0x1  }
0xd5: {  	v5 =	vmul.f32 v7, v5;
	_ =	sdelay $0x1  }
0xd6: {  	v6 =	vmul.f32 v5, v6;
	_ =	sdelay $0x1  }
0xd7: {  	v6 =	vmul.f32 v6, v5;
	_ =	sdelay $0x1  }
0xd8: {  	v6 =	vsub.f32 $1.500000000e+00, v6;
	_ =	sdelay $0x1  }
0xd9: {  	v5 =	vmul.f32 v6, v5;
	_ =	sdelay $0x1  }
0xda: {  	v3 =	vmul.f32 v5, v3;
	_ =	sdelay $0x1  }
0xdb: {  	v5 =	vadd.f32 $1.000000000e+00, v3;
	_ =	sdelay $0x1  }
0xdc: {  	(erf) = vrcp.f32 v5;
	_ =	sdelay $0x5  }
0xdd: {  	s20 =	simm.s32 $0x10  }
0xde: {  	s25 =	simm.s32 $0x0;
	s26 =	simm.s32 $0x0;
	s23 =	sand.u32 $0x70, s20  }
0xdf: {  	s24 =	simm.s32 $0x0;
	s14 =	sor.u32 s9, s25;
	s25 =	sor.u32 s23, s26  }
0xe0: {  	s19 =	sor.u32 s9, s24;
	s24 =	simm.s32 $0x0;
	s26 =	simm.s32 $0x0;
	v5 =	vmov s25;
	v6 =	vpop (erf)  }
0xe1: {  	s9 =	simm.s32 $0x2;
	s24 =	sor.u32 s23, s24;
	s25 =	sor.u32 s23, s26;
	v7 =	vshll.u32 v5, $0x3;
	v5 =	vmul.f32 v6, v8;
	v4 =	vmul.f32 v6, v4  }
.LBB2_3:
0xe2: {  	p1 =	sne.s32 s9, $0x57;
	v8 =	vor.u32 v0, v7;
	v7 =	vor.u32 v1, v7;
	v2 =	vmul.f32 v6, v2;
	s23 =	smov.u32 s9;
	s9 =	sadd.s32 $0x1, s9  }
0xe3: {  	v6 =	vor.u32 $0x1, v8;
	v9 =	vor.u32 $0x2, v8;
	v10 =	vor.u32 $0x1, v7;
	[tilespmem:s14+$0xC600] =	vst v5  }
0xe4: {  	v5 =	vor.u32 $0x2, v7;
	[tilespmem:s14+$0xC700] =	vst v2  }
0xe5: {  	[tilespmem:s14+$0xC680] =	vst v4;
	s14 =	smov.u32 s24  }
0xe6: {  	[tilespmem:s19+$0xF200] =	vst v3;
	s19 =	smov.u32 s25  }
0xe7: {  	v2 =	vld.idx.msk [tilespmem:v8+s17+$0x0], $0xffff  }
0xe8: {  	v3 =	vld.idx.msk [tilespmem:v7+s17+$0x0], $0xffff  }
0xe9: {  	v4 =	vld.idx.msk [tilespmem:v6+s17+$0x0], $0xffff  }
0xea: {  	v6 =	vld.idx.msk [tilespmem:v10+s17+$0x0], $0xffff  }
0xeb: {  	v7 =	vld.idx.msk [tilespmem:v9+s17+$0x0], $0xffff  }
0xec: {  	v5 =	vld.idx.msk [tilespmem:v5+s17+$0x0], $0xffff;
	_ =	sdelay $0x1  }
0xed: {  	v8 =	vsub.f32 v2, v3;
	_ =	sdelay $0x1  }
0xee: {  	v4 =	vsub.f32 v4, v6;
	_ =	sdelay $0x1  }
0xef: {  	v3 =	vmul.f32 v8, v8;
	v2 =	vsub.f32 v7, v5;
	v5 =	vmul.f32 v4, v4;
	_ =	sdelay $0x1  }
0xf0: {  	v3 =	vadd.f32 v5, v3;
	v5 =	vmul.f32 v2, v2;
	_ =	sdelay $0x1  }
0xf1: {  	v3 =	vadd.f32 v5, v3;
	_ =	sdelay $0x1  }
0xf2: {  	v3 =	vadd.f32 $9.999999970e-07, v3;
	_ =	sdelay $0x1  }
0xf3: {  	v5 =	vshra.s32 v3, $0x1;
	v6 =	vmul.f32 $5.000000000e-01, v3  }
0xf4: {  	v5 =	vsub.s32 $0x5F3759DF, v5  }
0xf5: {  	v7 =	vmul.f32 v5, v6;
	_ =	sdelay $0x1  }
0xf6: {  	v7 =	vmul.f32 v5, v7;
	_ =	sdelay $0x1  }
0xf7: {  	v7 =	vsub.f32 $1.500000000e+00, v7;
	_ =	sdelay $0x1  }
0xf8: {  	v5 =	vmul.f32 v5, v7;
	_ =	sdelay $0x1  }
0xf9: {  	v7 =	vmul.f32 v5, v6;
	_ =	sdelay $0x1  }
0xfa: {  	v7 =	vmul.f32 v7, v5;
	_ =	sdelay $0x1  }
0xfb: {  	v7 =	vsub.f32 $1.500000000e+00, v7;
	_ =	sdelay $0x1  }
0xfc: {  	v5 =	vmul.f32 v7, v5;
	_ =	sdelay $0x1  }
0xfd: {  	v6 =	vmul.f32 v5, v6;
	_ =	sdelay $0x1  }
0xfe: {  	v6 =	vmul.f32 v6, v5;
	_ =	sdelay $0x1  }
0xff: {  	v6 =	vsub.f32 $1.500000000e+00, v6;
	_ =	sdelay $0x1  }
0x100: {  	v5 =	vmul.f32 v6, v5;
	_ =	sdelay $0x1  }
0x101: {  	v3 =	vmul.f32 v5, v3;
	_ =	sdelay $0x1  }
0x102: {  	v5 =	vadd.f32 $1.000000000e+00, v3;
	_ =	sdelay $0x1  }
0x103: {  	(erf) = vrcp.f32 v5;
	_ =	sdelay $0x5  }
.Ltmp2:
0x104: {  	s20 =	sadd.s32 $0x10, s20;
	s23 =	sshrl.u32 s23, $0x3;
	(pc) =	sbr.rel @p1 .LBB2_3-.Ltmp2, $4  }
0x105: {  	s24 =	sshll.u32 s23, $0x8;
	s23 =	sshll.u32 s23, $0x9;
	s25 =	sand.u32 $0x70, s20  }
0x106: {  	s26 =	sor.u32 s25, s24;
	s24 =	sor.u32 s25, s23;
	s23 =	sshrl.u32 s23, $0x2  }
0x107: {  	s25 =	sor.u32 s25, s23;
	v5 =	vmov s26;
	v6 =	vpop (erf)  }
0x108: {  	v7 =	vshll.u32 v5, $0x3;
	v5 =	vmul.f32 v6, v8;
	v4 =	vmul.f32 v6, v4  }
0x109: {  	v8 =	vor.u32 v0, v7  }
0x10a: {  	v2 =	vmul.f32 v6, v2;
	v55 =	vor.u32 v1, v7;
	[tilespmem:s14+$0xC600] =	vst v5  }
0x10b: {  	v56 =	vor.u32 $0x1, v8;
	[tilespmem:s14+$0xC680] =	vst v4  }
0x10c: {  	[tilespmem:s14+$0xC700] =	vst v2;
	v2 =	vor.u32 $0x1, v55  }
0x10d: {  	v57 =	vor.u32 $0x2, v8;
	[tilespmem:s19+$0xF200] =	vst v3  }
0x10e: {  	v3 =	vor.u32 $0x2, v55;
	v58 =	vld.idx.msk [tilespmem:v8+s17+$0x0], $0xffff  }
0x10f: {  	v6 =	vld.idx.msk [tilespmem:v55+s17+$0x0], $0xffff  }
0x110: {  	v5 =	vld.idx.msk [tilespmem:v56+s17+$0x0], $0xffff  }
0x111: {  	v2 =	vld.idx.msk [tilespmem:v2+s17+$0x0], $0xffff  }
0x112: {  	v4 =	vld.idx.msk [tilespmem:v57+s17+$0x0], $0xffff  }
0x113: {  	v3 =	vld.idx.msk [tilespmem:v3+s17+$0x0], $0xffff;
	_ =	sdelay $0x2  }
0x114: {  	v6 =	vsub.f32 v58, v6;
	v2 =	vsub.f32 v5, v2;
	_ =	sdelay $0x1  }
0x115: {  	v59 =	vmul.f32 v6, v6;
	v3 =	vsub.f32 v4, v3;
	v5 =	vmul.f32 v2, v2;
	_ =	sdelay $0x1  }
0x116: {  	v60 =	vmul.f32 v3, v3;
	v4 =	vadd.f32 v5, v59;
	_ =	sdelay $0x1  }
0x117: {  	v4 =	vadd.f32 v60, v4;
	_ =	sdelay $0x1  }
0x118: {  	v4 =	vadd.f32 $9.999999970e-07, v4;
	_ =	sdelay $0x1  }
0x119: {  	v61 =	vshra.s32 v4, $0x1;
	v62 =	vmul.f32 $5.000000000e-01, v4  }
0x11a: {  	v5 =	vsub.s32 $0x5F3759DF, v61  }
0x11b: {  	v63 =	vmul.f32 v5, v62;
	_ =	sdelay $0x1  }
0x11c: {  	v8 =	vmul.f32 v5, v63;
	_ =	sdelay $0x1  }
0x11d: {  	v8 =	vsub.f32 $1.500000000e+00, v8;
	_ =	sdelay $0x1  }
0x11e: {  	v5 =	vmul.f32 v5, v8;
	_ =	sdelay $0x1  }
0x11f: {  	v8 =	vmul.f32 v5, v62;
	_ =	sdelay $0x1  }
0x120: {  	v8 =	vmul.f32 v8, v5;
	_ =	sdelay $0x1  }
0x121: {  	v8 =	vsub.f32 $1.500000000e+00, v8;
	_ =	sdelay $0x1  }
0x122: {  	v5 =	vmul.f32 v8, v5;
	_ =	sdelay $0x1  }
0x123: {  	v7 =	vmul.f32 v5, v62;
	_ =	sdelay $0x1  }
0x124: {  	v7 =	vmul.f32 v7, v5;
	_ =	sdelay $0x1  }
0x125: {  	v7 =	vsub.f32 $1.500000000e+00, v7;
	_ =	sdelay $0x1  }
0x126: {  	v5 =	vmul.f32 v7, v5;
	_ =	sdelay $0x1  }
0x127: {  	v4 =	vmul.f32 v5, v4;
	_ =	sdelay $0x1  }
0x128: {  	v5 =	vadd.f32 $1.000000000e+00, v4;
	_ =	sdelay $0x1  }
0x129: {  	(erf) = vrcp.f32 v5;
	_ =	sdelay $0x8  }
0x12a: {  	v5 =	vpop (erf)  }
0x12b: {  	v6 =	vmul.f32 v5, v6  }
0x12c: {  	v3 =	vmul.f32 v5, v3  }
0x12d: {  	s9 =	sadd.s32 s7, s10;
	v2 =	vmul.f32 v5, v2;
	[tilespmem:s24+$0xC600] =	vst v6  }
0x12e: {  	p1 =	seq.s32 s12, $0x46;
	s26 =	sshll.u32 s9, $0x6;
	[tilespmem:s24+$0xC700] =	vst v3  }
.Ltmp3:
0x12f: {  	s9 =	sshll.u32 s9, $0x4;
	s14 =	sand.u32 $0x1FFFFFC0, s26;
	[tilespmem:s24+$0xC680] =	vst v2;
	(pc) =	sbr.rel @p1 .LBB2_6-.Ltmp3, $4  }
0x130: {  	s9 =	sand.u32 $0x1FFFFFF0, s9;
	s14 =	sadd.s32 s4, s14;
	[tilespmem:s25+$0xF200] =	vst v4  }
0x131: {  	[hbm4b:s14+s5] =	stream.linear.scatter [tilespmem:s29], [sflag:$0x3], $0x1600, $0x38;
	[tilespmem:$0xFD00] =	vst v63  }
0x132: {  	s9 =	sadd.s32 s3, s9  }
0x133: {  	[hbm4b:s9+s5] =	stream.linear.scatter [tilespmem:s30], [sflag:$0x3], $0x580, $0x38;
	[tilespmem:$0xFD00] =	vst v63  }
0x134: {  	s9 =	rddreg [dreg:$0x5]  }
0x135: {  	s9 =	sadd.s32 s10, s9  }
0x136: {  	s9 =	sshll.u32 s9, $0x5  }
0x137: {  	s9 =	sand.u32 $0x1FFFFFE0, s9  }
0x138: {  	s9 =	sadd.s32 s1, s9  }
0x139: {  	[tilespmem:s5], [sflag:$0x5] =	stream.linear.gather [hbm4b:s9+s5], $0xB00, $0x38;
	[tilespmem:$0xFD00] =	vst v63  }
0x13a: {  	_ =	swait.ge [sflag:s15], $0xB00  }
0x13b: {  	[sflag:s15] =	ssyncset.done $0x0  }
0x13c: {  	[sflag:s15] =	ssyncadd.s32 $0xFFFFF500  }
0x13d: {  	[tilespmem:s17], [sflag:$0x1] =	stream.indirect.gather [hbm4b:s6+s16], $0x4, s5, s16, $0xb8;
	[tilespmem:$0xFD00] =	vst v63  }
0x13e: {  	s26 =	simm.s32 $0x1A00  }
0x13f: {  	[tilespmem:s26], [sflag:$0x1] =	stream.indirect.gather [hbm4b:s6+s16], $0x4, s16, s16, $0xb8;
	[tilespmem:$0xFD00] =	vst v63  }
0x140: {  	s14 =	simm.s32 $0x1E00;
	s10 =	simm.s32 $0x100  }
0x141: {  	[tilespmem:s14], [sflag:$0x1] =	stream.indirect.gather [hbm4b:s6+s16], $0x4, s10, s16, $0xb8;
	[tilespmem:$0xFD00] =	vst v63  }
0x142: {  	s19 =	simm.s32 $0x180;
	s20 =	simm.s32 $0x2200  }
0x143: {  	[tilespmem:s20], [sflag:$0x1] =	stream.indirect.gather [hbm4b:s6+s16], $0x4, s19, s16, $0xb8;
	[tilespmem:$0xFD00] =	vst v63  }
0x144: {  	s23 =	simm.s32 $0x200;
	s24 =	simm.s32 $0x2600  }
0x145: {  	[tilespmem:s24], [sflag:$0x1] =	stream.indirect.gather [hbm4b:s6+s16], $0x4, s23, s16, $0xb8;
	[tilespmem:$0xFD00] =	vst v63  }
0x146: {  	s25 =	simm.s32 $0x280;
	s26 =	simm.s32 $0x2A00  }
0x147: {  	[tilespmem:s26], [sflag:$0x1] =	stream.indirect.gather [hbm4b:s6+s16], $0x4, s25, s16, $0xb8;
	[tilespmem:$0xFD00] =	vst v63  }
0x148: {  	s10 =	simm.s32 $0x300;
	s14 =	simm.s32 $0x2E00  }
0x149: {  	[tilespmem:s14], [sflag:$0x1] =	stream.indirect.gather [hbm4b:s6+s16], $0x4, s10, s16, $0xb8;
	[tilespmem:$0xFD00] =	vst v63  }
0x14a: {  	s19 =	simm.s32 $0x380;
	s20 =	simm.s32 $0x3200  }
0x14b: {  	[tilespmem:s20], [sflag:$0x1] =	stream.indirect.gather [hbm4b:s6+s16], $0x4, s19, s16, $0xb8;
	[tilespmem:$0xFD00] =	vst v63  }
0x14c: {  	s23 =	simm.s32 $0x400;
	s24 =	simm.s32 $0x3600  }
0x14d: {  	[tilespmem:s24], [sflag:$0x1] =	stream.indirect.gather [hbm4b:s6+s16], $0x4, s23, s16, $0xb8;
	[tilespmem:$0xFD00] =	vst v63  }
0x14e: {  	s25 =	simm.s32 $0x480;
	s26 =	simm.s32 $0x3A00  }
0x14f: {  	[tilespmem:s26], [sflag:$0x1] =	stream.indirect.gather [hbm4b:s6+s16], $0x4, s25, s16, $0xb8;
	[tilespmem:$0xFD00] =	vst v63  }
0x150: {  	s10 =	simm.s32 $0x500;
	s14 =	simm.s32 $0x3E00  }
0x151: {  	[tilespmem:s14], [sflag:$0x1] =	stream.indirect.gather [hbm4b:s6+s16], $0x4, s10, s16, $0xb8;
	[tilespmem:$0xFD00] =	vst v63  }
0x152: {  	s19 =	simm.s32 $0x580;
	s20 =	simm.s32 $0x4200  }
0x153: {  	[tilespmem:s20], [sflag:$0x1] =	stream.indirect.gather [hbm4b:s6+s16], $0x4, s19, s16, $0xb8;
	[tilespmem:$0xFD00] =	vst v63  }
0x154: {  	s23 =	simm.s32 $0x600;
	s24 =	simm.s32 $0x4600  }
0x155: {  	[tilespmem:s24], [sflag:$0x1] =	stream.indirect.gather [hbm4b:s6+s16], $0x4, s23, s16, $0xb8;
	[tilespmem:$0xFD00] =	vst v63  }
0x156: {  	s25 =	simm.s32 $0x680;
	s26 =	simm.s32 $0x4A00  }
0x157: {  	[tilespmem:s26], [sflag:$0x1] =	stream.indirect.gather [hbm4b:s6+s16], $0x4, s25, s16, $0xb8;
	[tilespmem:$0xFD00] =	vst v63  }
0x158: {  	s10 =	simm.s32 $0x700;
	s14 =	simm.s32 $0x4E00  }
0x159: {  	[tilespmem:s14], [sflag:$0x1] =	stream.indirect.gather [hbm4b:s6+s16], $0x4, s10, s16, $0xb8;
	[tilespmem:$0xFD00] =	vst v63  }
0x15a: {  	s19 =	simm.s32 $0x780;
	s20 =	simm.s32 $0x5200  }
0x15b: {  	[tilespmem:s20], [sflag:$0x1] =	stream.indirect.gather [hbm4b:s6+s16], $0x4, s19, s16, $0xb8;
	[tilespmem:$0xFD00] =	vst v63  }
0x15c: {  	s23 =	simm.s32 $0x800;
	s24 =	simm.s32 $0x5600  }
0x15d: {  	[tilespmem:s24], [sflag:$0x1] =	stream.indirect.gather [hbm4b:s6+s16], $0x4, s23, s16, $0xb8;
	[tilespmem:$0xFD00] =	vst v63  }
0x15e: {  	s25 =	simm.s32 $0x880;
	s26 =	simm.s32 $0x5A00  }
0x15f: {  	[tilespmem:s26], [sflag:$0x1] =	stream.indirect.gather [hbm4b:s6+s16], $0x4, s25, s16, $0xb8;
	[tilespmem:$0xFD00] =	vst v63  }
0x160: {  	s10 =	simm.s32 $0x900;
	s14 =	simm.s32 $0x5E00  }
0x161: {  	[tilespmem:s14], [sflag:$0x1] =	stream.indirect.gather [hbm4b:s6+s16], $0x4, s10, s16, $0xb8;
	[tilespmem:$0xFD00] =	vst v63  }
0x162: {  	s19 =	simm.s32 $0x980;
	s20 =	simm.s32 $0x6200  }
0x163: {  	[tilespmem:s20], [sflag:$0x1] =	stream.indirect.gather [hbm4b:s6+s16], $0x4, s19, s16, $0xb8;
	[tilespmem:$0xFD00] =	vst v63  }
0x164: {  	s23 =	simm.s32 $0xA00;
	s24 =	simm.s32 $0x6600  }
0x165: {  	[tilespmem:s24], [sflag:$0x1] =	stream.indirect.gather [hbm4b:s6+s16], $0x4, s23, s16, $0xb8;
	[tilespmem:$0xFD00] =	vst v63  }
0x166: {  	s25 =	simm.s32 $0xA80;
	s26 =	simm.s32 $0x6A00  }
0x167: {  	[tilespmem:s26], [sflag:$0x1] =	stream.indirect.gather [hbm4b:s6+s16], $0x4, s25, s16, $0xb8;
	[tilespmem:$0xFD00] =	vst v63  }
.LBB2_6:
0x168: {  	_ =	swait.ge [sflag:s31], $0x200  }
0x169: {  	[sflag:s31] =	ssyncset.done $0x0  }
0x16a: {  	[sflag:s31] =	ssyncadd.s32 $0xFFFFFE00  }
0x16b: {  	_ =	swait.ge [sflag:s31], $0x200  }
0x16c: {  	[sflag:s31] =	ssyncset.done $0x0  }
0x16d: {  	[sflag:s31] =	ssyncadd.s32 $0xFFFFFE00  }
0x16e: {  	_ =	swait.ge [sflag:s31], $0x200  }
0x16f: {  	[sflag:s31] =	ssyncset.done $0x0  }
0x170: {  	[sflag:s31] =	ssyncadd.s32 $0xFFFFFE00  }
0x171: {  	_ =	swait.ge [sflag:s31], $0x200  }
0x172: {  	[sflag:s31] =	ssyncset.done $0x0  }
0x173: {  	[sflag:s31] =	ssyncadd.s32 $0xFFFFFE00  }
0x174: {  	_ =	swait.ge [sflag:s31], $0x200  }
0x175: {  	[sflag:s31] =	ssyncset.done $0x0  }
0x176: {  	[sflag:s31] =	ssyncadd.s32 $0xFFFFFE00  }
0x177: {  	_ =	swait.ge [sflag:s31], $0x200  }
0x178: {  	[sflag:s31] =	ssyncset.done $0x0  }
0x179: {  	[sflag:s31] =	ssyncadd.s32 $0xFFFFFE00  }
0x17a: {  	_ =	swait.ge [sflag:s31], $0x200  }
0x17b: {  	[sflag:s31] =	ssyncset.done $0x0  }
0x17c: {  	[sflag:s31] =	ssyncadd.s32 $0xFFFFFE00  }
0x17d: {  	_ =	swait.ge [sflag:s31], $0x200  }
0x17e: {  	[sflag:s31] =	ssyncset.done $0x0  }
0x17f: {  	[sflag:s31] =	ssyncadd.s32 $0xFFFFFE00  }
0x180: {  	_ =	swait.ge [sflag:s31], $0x200  }
0x181: {  	[sflag:s31] =	ssyncset.done $0x0  }
0x182: {  	[sflag:s31] =	ssyncadd.s32 $0xFFFFFE00  }
0x183: {  	_ =	swait.ge [sflag:s31], $0x200  }
0x184: {  	[sflag:s31] =	ssyncset.done $0x0  }
0x185: {  	[sflag:s31] =	ssyncadd.s32 $0xFFFFFE00  }
0x186: {  	_ =	swait.ge [sflag:s31], $0x200  }
0x187: {  	[sflag:s31] =	ssyncset.done $0x0  }
0x188: {  	[sflag:s31] =	ssyncadd.s32 $0xFFFFFE00  }
0x189: {  	_ =	swait.ge [sflag:s31], $0x200  }
0x18a: {  	[sflag:s31] =	ssyncset.done $0x0  }
0x18b: {  	[sflag:s31] =	ssyncadd.s32 $0xFFFFFE00  }
0x18c: {  	_ =	swait.ge [sflag:s31], $0x200  }
0x18d: {  	[sflag:s31] =	ssyncset.done $0x0  }
0x18e: {  	[sflag:s31] =	ssyncadd.s32 $0xFFFFFE00  }
0x18f: {  	_ =	swait.ge [sflag:s31], $0x200  }
0x190: {  	[sflag:s31] =	ssyncset.done $0x0  }
0x191: {  	[sflag:s31] =	ssyncadd.s32 $0xFFFFFE00  }
0x192: {  	_ =	swait.ge [sflag:s31], $0x200  }
0x193: {  	[sflag:s31] =	ssyncset.done $0x0  }
0x194: {  	[sflag:s31] =	ssyncadd.s32 $0xFFFFFE00  }
0x195: {  	_ =	swait.ge [sflag:s31], $0x200  }
0x196: {  	[sflag:s31] =	ssyncset.done $0x0  }
0x197: {  	[sflag:s31] =	ssyncadd.s32 $0xFFFFFE00  }
0x198: {  	_ =	swait.ge [sflag:s31], $0x200  }
0x199: {  	[sflag:s31] =	ssyncset.done $0x0  }
0x19a: {  	[sflag:s31] =	ssyncadd.s32 $0xFFFFFE00  }
0x19b: {  	_ =	swait.ge [sflag:s31], $0x200  }
0x19c: {  	[sflag:s31] =	ssyncset.done $0x0  }
0x19d: {  	[sflag:s31] =	ssyncadd.s32 $0xFFFFFE00  }
0x19e: {  	_ =	swait.ge [sflag:s31], $0x200  }
0x19f: {  	[sflag:s31] =	ssyncset.done $0x0  }
0x1a0: {  	s9 =	simm.s32 $0x0;
	[sflag:s31] =	ssyncadd.s32 $0xFFFFFE00  }
0x1a1: {  	s10 =	simm.s32 $0x0;
	s9 =	sand.u32 $0x70, s9;
	_ =	swait.ge [sflag:s31], $0x200  }
0x1a2: {  	s10 =	sor.u32 s9, s10;
	[sflag:s31] =	ssyncset.done $0x0  }
0x1a3: {  	v2 =	vmov s10;
	[sflag:s31] =	ssyncadd.s32 $0xFFFFFE00  }
0x1a4: {  	v2 =	vshll.u32 v2, $0x3;
	_ =	swait.ge [sflag:s31], $0x200  }
0x1a5: {  	v3 =	vor.u32 v0, v2;
	[sflag:s31] =	ssyncset.done $0x0  }
0x1a6: {  	v2 =	vor.u32 v1, v2;
	[sflag:s31] =	ssyncadd.s32 $0xFFFFFE00  }
0x1a7: {  	v4 =	vor.u32 $0x1, v3;
	_ =	swait.ge [sflag:s31], $0x200  }
0x1a8: {  	v5 =	vor.u32 $0x1, v2;
	[sflag:s31] =	ssyncset.done $0x0  }
0x1a9: {  	v6 =	vor.u32 $0x2, v3;
	[sflag:s31] =	ssyncadd.s32 $0xFFFFFE00  }
0x1aa: {  	v7 =	vor.u32 $0x2, v2;
	v3 =	vld.idx.msk [tilespmem:v3+s22+$0x0], $0xffff  }
0x1ab: {  	v2 =	vld.idx.msk [tilespmem:v2+s22+$0x0], $0xffff  }
0x1ac: {  	v4 =	vld.idx.msk [tilespmem:v4+s22+$0x0], $0xffff  }
0x1ad: {  	v5 =	vld.idx.msk [tilespmem:v5+s22+$0x0], $0xffff  }
0x1ae: {  	v6 =	vld.idx.msk [tilespmem:v6+s22+$0x0], $0xffff  }
0x1af: {  	v7 =	vld.idx.msk [tilespmem:v7+s22+$0x0], $0xffff;
	_ =	sdelay $0x2  }
0x1b0: {  	v8 =	vsub.f32 v3, v2;
	v4 =	vsub.f32 v4, v5;
	_ =	sdelay $0x1  }
0x1b1: {  	v2 =	vsub.f32 v6, v7;
	v3 =	vmul.f32 v8, v8;
	v5 =	vmul.f32 v4, v4;
	_ =	sdelay $0x1  }
0x1b2: {  	v3 =	vadd.f32 v5, v3;
	v5 =	vmul.f32 v2, v2;
	_ =	sdelay $0x1  }
0x1b3: {  	v3 =	vadd.f32 v5, v3;
	_ =	sdelay $0x1  }
0x1b4: {  	v3 =	vadd.f32 $9.999999970e-07, v3;
	_ =	sdelay $0x1  }
0x1b5: {  	v5 =	vshra.s32 v3, $0x1;
	v6 =	vmul.f32 $5.000000000e-01, v3  }
0x1b6: {  	v5 =	vsub.s32 $0x5F3759DF, v5  }
0x1b7: {  	v7 =	vmul.f32 v5, v6;
	_ =	sdelay $0x1  }
0x1b8: {  	v7 =	vmul.f32 v5, v7;
	_ =	sdelay $0x1  }
0x1b9: {  	v7 =	vsub.f32 $1.500000000e+00, v7;
	_ =	sdelay $0x1  }
0x1ba: {  	v5 =	vmul.f32 v5, v7;
	_ =	sdelay $0x1  }
0x1bb: {  	v7 =	vmul.f32 v5, v6;
	_ =	sdelay $0x1  }
0x1bc: {  	v7 =	vmul.f32 v7, v5;
	_ =	sdelay $0x1  }
0x1bd: {  	v7 =	vsub.f32 $1.500000000e+00, v7;
	_ =	sdelay $0x1  }
0x1be: {  	v5 =	vmul.f32 v7, v5;
	_ =	sdelay $0x1  }
0x1bf: {  	v6 =	vmul.f32 v5, v6;
	_ =	sdelay $0x1  }
0x1c0: {  	v6 =	vmul.f32 v6, v5;
	_ =	sdelay $0x1  }
0x1c1: {  	v6 =	vsub.f32 $1.500000000e+00, v6;
	_ =	sdelay $0x1  }
0x1c2: {  	v5 =	vmul.f32 v6, v5;
	_ =	sdelay $0x1  }
0x1c3: {  	v3 =	vmul.f32 v5, v3;
	_ =	sdelay $0x1  }
0x1c4: {  	v5 =	vadd.f32 $1.000000000e+00, v3;
	_ =	sdelay $0x1  }
0x1c5: {  	(erf) = vrcp.f32 v5;
	_ =	sdelay $0x5  }
0x1c6: {  	s12 =	sadd.s32 $0x1, s12;
	s19 =	simm.s32 $0x10  }
0x1c7: {  	s25 =	simm.s32 $0x0;
	s14 =	simm.s32 $0x0;
	s24 =	sand.u32 $0x70, s19  }
0x1c8: {  	s20 =	simm.s32 $0x0;
	s26 =	simm.s32 $0x0;
	s23 =	sor.u32 s24, s14  }
0x1c9: {  	s14 =	sor.u32 s9, s20;
	s10 =	sor.u32 s9, s25;
	s25 =	simm.s32 $0x0;
	v5 =	vmov s23;
	v6 =	vpop (erf)  }
0x1ca: {  	s20 =	simm.s32 $0x2;
	s23 =	sor.u32 s24, s26;
	s24 =	sor.u32 s24, s25;
	v7 =	vshll.u32 v5, $0x3;
	v5 =	vmul.f32 v6, v8;
	v4 =	vmul.f32 v6, v4  }
.LBB2_7:
0x1cb: {  	p1 =	sne.s32 s20, $0x57;
	v8 =	vor.u32 v0, v7;
	v7 =	vor.u32 v1, v7;
	v2 =	vmul.f32 v6, v2;
	s9 =	smov.u32 s20;
	s20 =	sadd.s32 $0x1, s20  }
0x1cc: {  	v6 =	vor.u32 $0x1, v8;
	v9 =	vor.u32 $0x2, v8;
	v10 =	vor.u32 $0x1, v7;
	[tilespmem:s10+$0xDC00] =	vst v5  }
0x1cd: {  	v5 =	vor.u32 $0x2, v7;
	[tilespmem:s10+$0xDD00] =	vst v2  }
0x1ce: {  	[tilespmem:s10+$0xDC80] =	vst v4;
	s10 =	smov.u32 s23  }
0x1cf: {  	[tilespmem:s14+$0xF780] =	vst v3;
	s14 =	smov.u32 s24  }
0x1d0: {  	v2 =	vld.idx.msk [tilespmem:v8+s22+$0x0], $0xffff  }
0x1d1: {  	v3 =	vld.idx.msk [tilespmem:v7+s22+$0x0], $0xffff  }
0x1d2: {  	v4 =	vld.idx.msk [tilespmem:v6+s22+$0x0], $0xffff  }
0x1d3: {  	v6 =	vld.idx.msk [tilespmem:v10+s22+$0x0], $0xffff  }
0x1d4: {  	v7 =	vld.idx.msk [tilespmem:v9+s22+$0x0], $0xffff  }
0x1d5: {  	v5 =	vld.idx.msk [tilespmem:v5+s22+$0x0], $0xffff;
	_ =	sdelay $0x1  }
0x1d6: {  	v8 =	vsub.f32 v2, v3;
	_ =	sdelay $0x1  }
0x1d7: {  	v4 =	vsub.f32 v4, v6;
	_ =	sdelay $0x1  }
0x1d8: {  	v3 =	vmul.f32 v8, v8;
	v2 =	vsub.f32 v7, v5;
	v5 =	vmul.f32 v4, v4;
	_ =	sdelay $0x1  }
0x1d9: {  	v3 =	vadd.f32 v5, v3;
	v5 =	vmul.f32 v2, v2;
	_ =	sdelay $0x1  }
0x1da: {  	v3 =	vadd.f32 v5, v3;
	_ =	sdelay $0x1  }
0x1db: {  	v3 =	vadd.f32 $9.999999970e-07, v3;
	_ =	sdelay $0x1  }
0x1dc: {  	v5 =	vshra.s32 v3, $0x1;
	v6 =	vmul.f32 $5.000000000e-01, v3  }
0x1dd: {  	v5 =	vsub.s32 $0x5F3759DF, v5  }
0x1de: {  	v7 =	vmul.f32 v5, v6;
	_ =	sdelay $0x1  }
0x1df: {  	v7 =	vmul.f32 v5, v7;
	_ =	sdelay $0x1  }
0x1e0: {  	v7 =	vsub.f32 $1.500000000e+00, v7;
	_ =	sdelay $0x1  }
0x1e1: {  	v5 =	vmul.f32 v5, v7;
	_ =	sdelay $0x1  }
0x1e2: {  	v7 =	vmul.f32 v5, v6;
	_ =	sdelay $0x1  }
0x1e3: {  	v7 =	vmul.f32 v7, v5;
	_ =	sdelay $0x1  }
0x1e4: {  	v7 =	vsub.f32 $1.500000000e+00, v7;
	_ =	sdelay $0x1  }
0x1e5: {  	v5 =	vmul.f32 v7, v5;
	_ =	sdelay $0x1  }
0x1e6: {  	v6 =	vmul.f32 v5, v6;
	_ =	sdelay $0x1  }
0x1e7: {  	v6 =	vmul.f32 v6, v5;
	_ =	sdelay $0x1  }
0x1e8: {  	v6 =	vsub.f32 $1.500000000e+00, v6;
	_ =	sdelay $0x1  }
0x1e9: {  	v5 =	vmul.f32 v6, v5;
	_ =	sdelay $0x1  }
0x1ea: {  	v3 =	vmul.f32 v5, v3;
	_ =	sdelay $0x1  }
0x1eb: {  	v5 =	vadd.f32 $1.000000000e+00, v3;
	_ =	sdelay $0x1  }
0x1ec: {  	(erf) = vrcp.f32 v5;
	_ =	sdelay $0x5  }
.Ltmp4:
0x1ed: {  	s19 =	sadd.s32 $0x10, s19;
	s9 =	sshrl.u32 s9, $0x3;
	(pc) =	sbr.rel @p1 .LBB2_7-.Ltmp4, $4  }
0x1ee: {  	s23 =	sshll.u32 s9, $0x8;
	s9 =	sshll.u32 s9, $0x9;
	s24 =	sand.u32 $0x70, s19  }
0x1ef: {  	s25 =	sor.u32 s24, s23;
	s23 =	sor.u32 s24, s9;
	s9 =	sshrl.u32 s9, $0x2  }
0x1f0: {  	s24 =	sor.u32 s24, s9;
	v5 =	vmov s25;
	v6 =	vpop (erf)  }
0x1f1: {  	v7 =	vshll.u32 v5, $0x3;
	v5 =	vmul.f32 v6, v8;
	v4 =	vmul.f32 v6, v4  }
0x1f2: {  	v8 =	vor.u32 v0, v7  }
0x1f3: {  	v2 =	vmul.f32 v6, v2;
	v55 =	vor.u32 v1, v7;
	[tilespmem:s10+$0xDC00] =	vst v5  }
0x1f4: {  	v56 =	vor.u32 $0x1, v8;
	[tilespmem:s10+$0xDC80] =	vst v4  }
0x1f5: {  	[tilespmem:s10+$0xDD00] =	vst v2;
	v2 =	vor.u32 $0x1, v55  }
0x1f6: {  	v57 =	vor.u32 $0x2, v8;
	[tilespmem:s14+$0xF780] =	vst v3  }
0x1f7: {  	v3 =	vor.u32 $0x2, v55;
	v58 =	vld.idx.msk [tilespmem:v8+s22+$0x0], $0xffff  }
0x1f8: {  	v6 =	vld.idx.msk [tilespmem:v55+s22+$0x0], $0xffff  }
0x1f9: {  	v5 =	vld.idx.msk [tilespmem:v56+s22+$0x0], $0xffff  }
0x1fa: {  	v2 =	vld.idx.msk [tilespmem:v2+s22+$0x0], $0xffff  }
0x1fb: {  	v4 =	vld.idx.msk [tilespmem:v57+s22+$0x0], $0xffff  }
0x1fc: {  	v3 =	vld.idx.msk [tilespmem:v3+s22+$0x0], $0xffff;
	_ =	sdelay $0x2  }
0x1fd: {  	v6 =	vsub.f32 v58, v6;
	v2 =	vsub.f32 v5, v2;
	_ =	sdelay $0x1  }
0x1fe: {  	v59 =	vmul.f32 v6, v6;
	v3 =	vsub.f32 v4, v3;
	v5 =	vmul.f32 v2, v2;
	_ =	sdelay $0x1  }
0x1ff: {  	v60 =	vmul.f32 v3, v3;
	v4 =	vadd.f32 v5, v59;
	_ =	sdelay $0x1  }
0x200: {  	v4 =	vadd.f32 v60, v4;
	_ =	sdelay $0x1  }
0x201: {  	v4 =	vadd.f32 $9.999999970e-07, v4;
	_ =	sdelay $0x1  }
0x202: {  	v61 =	vshra.s32 v4, $0x1;
	v62 =	vmul.f32 $5.000000000e-01, v4  }
0x203: {  	v5 =	vsub.s32 $0x5F3759DF, v61  }
0x204: {  	v63 =	vmul.f32 v5, v62;
	_ =	sdelay $0x1  }
0x205: {  	v8 =	vmul.f32 v5, v63;
	_ =	sdelay $0x1  }
0x206: {  	v8 =	vsub.f32 $1.500000000e+00, v8;
	_ =	sdelay $0x1  }
0x207: {  	v5 =	vmul.f32 v5, v8;
	_ =	sdelay $0x1  }
0x208: {  	v8 =	vmul.f32 v5, v62;
	_ =	sdelay $0x1  }
0x209: {  	v8 =	vmul.f32 v8, v5;
	_ =	sdelay $0x1  }
0x20a: {  	v8 =	vsub.f32 $1.500000000e+00, v8;
	_ =	sdelay $0x1  }
0x20b: {  	v5 =	vmul.f32 v8, v5;
	_ =	sdelay $0x1  }
0x20c: {  	v7 =	vmul.f32 v5, v62;
	_ =	sdelay $0x1  }
0x20d: {  	v7 =	vmul.f32 v7, v5;
	_ =	sdelay $0x1  }
0x20e: {  	v7 =	vsub.f32 $1.500000000e+00, v7;
	_ =	sdelay $0x1  }
0x20f: {  	v5 =	vmul.f32 v7, v5;
	_ =	sdelay $0x1  }
0x210: {  	v4 =	vmul.f32 v5, v4;
	_ =	sdelay $0x1  }
0x211: {  	v5 =	vadd.f32 $1.000000000e+00, v4;
	_ =	sdelay $0x1  }
0x212: {  	(erf) = vrcp.f32 v5;
	_ =	sdelay $0x8  }
0x213: {  	v5 =	vpop (erf)  }
0x214: {  	v6 =	vmul.f32 v5, v6  }
0x215: {  	v3 =	vmul.f32 v5, v3  }
0x216: {  	v2 =	vmul.f32 v5, v2;
	[tilespmem:s23+$0xDC00] =	vst v6  }
0x217: {  	s9 =	sshll.u32 s13, $0x6;
	[tilespmem:s23+$0xDD00] =	vst v3  }
0x218: {  	s9 =	sand.u32 $0x1FFFFFC0, s9;
	[tilespmem:s23+$0xDC80] =	vst v2  }
0x219: {  	s26 =	sshll.u32 s13, $0x4;
	s9 =	sadd.s32 s4, s9;
	[tilespmem:s24+$0xF780] =	vst v4  }
0x21a: {  	[hbm4b:s9+s5] =	stream.linear.scatter [tilespmem:s18], [sflag:$0x4], $0x1600, $0x38;
	[tilespmem:$0xFD00] =	vst v63  }
0x21b: {  	s9 =	sand.u32 $0x1FFFFFF0, s26  }
0x21c: {  	s9 =	sadd.s32 s3, s9  }
0x21d: {  	[hbm4b:s9+s5] =	stream.linear.scatter [tilespmem:s2], [sflag:$0x4], $0x580, $0x38;
	[tilespmem:$0xFD00] =	vst v63  }
0x21e: {  	_ =	swait.ge [sflag:s0], $0x1600  }
0x21f: {  	[sflag:s0] =	ssyncset.done $0x0  }
0x220: {  	[sflag:s0] =	ssyncadd.s32 $0xFFFFEA00  }
0x221: {  	_ =	swait.ge [sflag:s0], $0x580  }
0x222: {  	[sflag:s0] =	ssyncset.done $0x0  }
0x223: {  	[sflag:s0] =	ssyncadd.s32 $0xFFFFFA80  }
0x224: {  	p1 =	sne.s32 s12, $0x47;
	_ =	swait.ge [sflag:s11], $0x1600  }
.Ltmp5:
0x225: {  	[sflag:s11] =	ssyncset.done $0x0;
	(pc) =	sbr.rel @p1 .LBB2_2-.Ltmp5, $4  }
0x226: {  	[sflag:s11] =	ssyncadd.s32 $0xFFFFEA00  }
0x227: {  	_ =	swait.ge [sflag:s11], $0x580  }
0x228: {  	[sflag:s11] =	ssyncset.done $0x0  }
0x229: {  	[sflag:s11] =	ssyncadd.s32 $0xFFFFFA80  }
.Ltmp6:
0x22a: {  	(pc) =	sbr.rel @p0 .LBB2_13-.Ltmp6, $2  }
0x22b: {  	_ =	sdelay $0x2  }
0x22c: {  	s10 =	rddreg [dreg:$0xb]  }
0x22d: {  	s9 =	simm.s32 $0x0;
	s10 =	rddreg [dreg:$0x7]  }
0x22e: {  	[tilespmem:s9], [sflag:$0x5] =	stream.linear.gather [hbm4b:s10+s9], $0x100, $0x38;
	[tilespmem:$0xFD00] =	vst v63  }
0x22f: {  	_ =	swait.ge [sflag:s15], $0x100  }
0x230: {  	[sflag:s15] =	ssyncset.done $0x0  }
0x231: {  	[sflag:s15] =	ssyncadd.s32 $0xFFFFFF00  }
0x232: {  	[tilespmem:s17], [sflag:$0x1] =	stream.indirect.gather [hbm4b:s6+s16], $0x4, s9, s16, $0xb8;
	[tilespmem:$0xFD00] =	vst v63  }
0x233: {  	s25 =	simm.s32 $0x1A00  }
0x234: {  	v2 =	vmov s9;
	[tilespmem:s25], [sflag:$0x1] =	stream.indirect.gather [hbm4b:s6+s16], $0x4, s16, s16, $0xb8;
	[tilespmem:$0xFD00] =	vst v63  }
0x235: {  	v2 =	vshll.u32 v2, $0x3;
	_ =	swait.ge [sflag:s28], $0x200  }
0x236: {  	v3 =	vor.u32 v0, v2;
	[sflag:s28] =	ssyncset.done $0x0  }
0x237: {  	v2 =	vor.u32 v1, v2;
	[sflag:s28] =	ssyncadd.s32 $0xFFFFFE00  }
0x238: {  	v4 =	vor.u32 $0x1, v3;
	_ =	swait.ge [sflag:s28], $0x200  }
0x239: {  	v5 =	vor.u32 $0x1, v2;
	[sflag:s28] =	ssyncset.done $0x0  }
0x23a: {  	v6 =	vor.u32 $0x2, v2;
	[sflag:s28] =	ssyncadd.s32 $0xFFFFFE00  }
0x23b: {  	v7 =	vor.u32 $0x2, v3;
	v3 =	vld.idx.msk [tilespmem:v3+s17+$0x0], $0xffff  }
0x23c: {  	v2 =	vld.idx.msk [tilespmem:v2+s17+$0x0], $0xffff  }
0x23d: {  	v4 =	vld.idx.msk [tilespmem:v4+s17+$0x0], $0xffff  }
0x23e: {  	v5 =	vld.idx.msk [tilespmem:v5+s17+$0x0], $0xffff  }
0x23f: {  	v6 =	vld.idx.msk [tilespmem:v6+s17+$0x0], $0xffff  }
0x240: {  	v7 =	vld.idx.msk [tilespmem:v7+s17+$0x0], $0xffff;
	_ =	sdelay $0x2  }
0x241: {  	v8 =	vsub.f32 v3, v2;
	v4 =	vsub.f32 v4, v5;
	_ =	sdelay $0x1  }
0x242: {  	v2 =	vsub.f32 v7, v6;
	v3 =	vmul.f32 v8, v8;
	v5 =	vmul.f32 v4, v4;
	_ =	sdelay $0x1  }
0x243: {  	v3 =	vadd.f32 v5, v3;
	v5 =	vmul.f32 v2, v2;
	_ =	sdelay $0x1  }
0x244: {  	v3 =	vadd.f32 v5, v3;
	_ =	sdelay $0x1  }
0x245: {  	v3 =	vadd.f32 $9.999999970e-07, v3;
	_ =	sdelay $0x1  }
0x246: {  	v5 =	vshra.s32 v3, $0x1;
	v6 =	vmul.f32 $5.000000000e-01, v3  }
0x247: {  	v5 =	vsub.s32 $0x5F3759DF, v5  }
0x248: {  	v7 =	vmul.f32 v5, v6;
	_ =	sdelay $0x1  }
0x249: {  	v7 =	vmul.f32 v5, v7;
	_ =	sdelay $0x1  }
0x24a: {  	v7 =	vsub.f32 $1.500000000e+00, v7;
	_ =	sdelay $0x1  }
0x24b: {  	v5 =	vmul.f32 v5, v7;
	_ =	sdelay $0x1  }
0x24c: {  	v7 =	vmul.f32 v5, v6;
	_ =	sdelay $0x1  }
0x24d: {  	v7 =	vmul.f32 v7, v5;
	_ =	sdelay $0x1  }
0x24e: {  	v7 =	vsub.f32 $1.500000000e+00, v7;
	_ =	sdelay $0x1  }
0x24f: {  	v5 =	vmul.f32 v7, v5;
	_ =	sdelay $0x1  }
0x250: {  	v6 =	vmul.f32 v5, v6;
	_ =	sdelay $0x1  }
0x251: {  	v6 =	vmul.f32 v6, v5;
	_ =	sdelay $0x1  }
0x252: {  	v6 =	vsub.f32 $1.500000000e+00, v6;
	_ =	sdelay $0x1  }
0x253: {  	v5 =	vmul.f32 v6, v5;
	_ =	sdelay $0x1  }
0x254: {  	v3 =	vmul.f32 v5, v3;
	_ =	sdelay $0x1  }
0x255: {  	v5 =	vadd.f32 $1.000000000e+00, v3;
	_ =	sdelay $0x1  }
0x256: {  	(erf) = vrcp.f32 v5;
	_ =	sdelay $0x7  }
0x257: {  	s26 =	simm.s32 $0x10  }
0x258: {  	s12 =	simm.s32 $0xC700;
	s20 =	simm.s32 $0x20;
	v5 =	vmov s26;
	v6 =	vpop (erf)  }
0x259: {  	s13 =	simm.s32 $0xF200;
	s10 =	simm.s32 $0xF200;
	s9 =	simm.s32 $0xC700;
	v7 =	vshll.u32 v5, $0x3;
	v5 =	vmul.f32 v6, v8;
	v4 =	vmul.f32 v6, v4  }
.LBB2_11:
0x25a: {  	s12 =	sadd.s32 $0x10, s12  }
0x25b: {  	v8 =	vor.u32 v0, v7;
	v7 =	vor.u32 v1, v7;
	v2 =	vmul.f32 v6, v2;
	s10 =	sadd.s32 $0x10, s10;
	s19 =	smov.u32 s20;
	s14 =	sadd.s32 $0x10, s20  }
0x25c: {  	p1 =	sne.s32 s20, $0x70;
	v6 =	vor.u32 $0x1, v8;
	v9 =	vor.u32 $0x2, v8;
	v10 =	vor.u32 $0x1, v7;
	[tilespmem:s9+$0xFFFFFF00] =	vst v5  }
0x25d: {  	v5 =	vor.u32 $0x2, v7;
	[tilespmem:s9+$0x0] =	vst v2  }
0x25e: {  	[tilespmem:s9+$0xFFFFFF80] =	vst v4;
	s9 =	smov.u32 s12  }
0x25f: {  	[tilespmem:s13+$0x0] =	vst v3;
	s13 =	smov.u32 s10  }
0x260: {  	v2 =	vld.idx.msk [tilespmem:v8+s17+$0x0], $0xffff  }
0x261: {  	v3 =	vld.idx.msk [tilespmem:v7+s17+$0x0], $0xffff  }
0x262: {  	v4 =	vld.idx.msk [tilespmem:v6+s17+$0x0], $0xffff  }
0x263: {  	v6 =	vld.idx.msk [tilespmem:v10+s17+$0x0], $0xffff  }
0x264: {  	v5 =	vld.idx.msk [tilespmem:v5+s17+$0x0], $0xffff  }
0x265: {  	v7 =	vld.idx.msk [tilespmem:v9+s17+$0x0], $0xffff;
	_ =	sdelay $0x1  }
0x266: {  	v8 =	vsub.f32 v2, v3;
	_ =	sdelay $0x1  }
0x267: {  	v4 =	vsub.f32 v4, v6;
	_ =	sdelay $0x1  }
0x268: {  	v3 =	vmul.f32 v8, v8;
	v2 =	vsub.f32 v7, v5;
	v5 =	vmul.f32 v4, v4;
	_ =	sdelay $0x1  }
0x269: {  	v3 =	vadd.f32 v5, v3;
	v5 =	vmul.f32 v2, v2;
	_ =	sdelay $0x1  }
0x26a: {  	v3 =	vadd.f32 v5, v3;
	_ =	sdelay $0x1  }
0x26b: {  	v3 =	vadd.f32 $9.999999970e-07, v3;
	_ =	sdelay $0x1  }
0x26c: {  	v5 =	vshra.s32 v3, $0x1;
	v6 =	vmul.f32 $5.000000000e-01, v3  }
0x26d: {  	v5 =	vsub.s32 $0x5F3759DF, v5  }
0x26e: {  	v7 =	vmul.f32 v5, v6;
	_ =	sdelay $0x1  }
0x26f: {  	v7 =	vmul.f32 v5, v7;
	_ =	sdelay $0x1  }
0x270: {  	v7 =	vsub.f32 $1.500000000e+00, v7;
	_ =	sdelay $0x1  }
0x271: {  	v5 =	vmul.f32 v5, v7;
	_ =	sdelay $0x1  }
0x272: {  	v7 =	vmul.f32 v5, v6;
	_ =	sdelay $0x1  }
0x273: {  	v7 =	vmul.f32 v7, v5;
	_ =	sdelay $0x1  }
0x274: {  	v7 =	vsub.f32 $1.500000000e+00, v7;
	_ =	sdelay $0x1  }
0x275: {  	v5 =	vmul.f32 v7, v5;
	_ =	sdelay $0x1  }
0x276: {  	v6 =	vmul.f32 v5, v6;
	_ =	sdelay $0x1  }
0x277: {  	v6 =	vmul.f32 v6, v5;
	_ =	sdelay $0x1  }
0x278: {  	v6 =	vsub.f32 $1.500000000e+00, v6;
	_ =	sdelay $0x1  }
0x279: {  	v5 =	vmul.f32 v6, v5;
	_ =	sdelay $0x1  }
0x27a: {  	v3 =	vmul.f32 v5, v3;
	_ =	sdelay $0x1  }
0x27b: {  	v5 =	vadd.f32 $1.000000000e+00, v3;
	_ =	sdelay $0x1  }
0x27c: {  	(erf) = vrcp.f32 v5;
	_ =	sdelay $0x5  }
.Ltmp7:
0x27d: {  	(pc) =	sbr.rel @p1 .LBB2_11-.Ltmp7, $3  }
0x27e: {  	_ =	sdelay $0x1  }
0x27f: {  	v5 =	vmov s19;
	v6 =	vpop (erf)  }
0x280: {  	s20 =	smov.u32 s14;
	v7 =	vshll.u32 v5, $0x3;
	v5 =	vmul.f32 v6, v8;
	v4 =	vmul.f32 v6, v4  }
0x281: {  	v8 =	vor.u32 v0, v7  }
0x282: {  	v2 =	vmul.f32 v6, v2;
	v55 =	vor.u32 v1, v7;
	[tilespmem:s9+$0xFFFFFF00] =	vst v5  }
0x283: {  	v56 =	vor.u32 $0x1, v8;
	[tilespmem:s9+$0xFFFFFF80] =	vst v4  }
0x284: {  	[tilespmem:s9+$0x0] =	vst v2;
	v2 =	vor.u32 $0x1, v55  }
0x285: {  	v57 =	vor.u32 $0x2, v55;
	[tilespmem:s13+$0x0] =	vst v3  }
0x286: {  	v3 =	vor.u32 $0x2, v8;
	v58 =	vld.idx.msk [tilespmem:v8+s17+$0x0], $0xffff  }
0x287: {  	v6 =	vld.idx.msk [tilespmem:v55+s17+$0x0], $0xffff  }
0x288: {  	v5 =	vld.idx.msk [tilespmem:v56+s17+$0x0], $0xffff  }
0x289: {  	v2 =	vld.idx.msk [tilespmem:v2+s17+$0x0], $0xffff  }
0x28a: {  	v4 =	vld.idx.msk [tilespmem:v57+s17+$0x0], $0xffff  }
0x28b: {  	v3 =	vld.idx.msk [tilespmem:v3+s17+$0x0], $0xffff;
	_ =	sdelay $0x2  }
0x28c: {  	v6 =	vsub.f32 v58, v6;
	v2 =	vsub.f32 v5, v2;
	_ =	sdelay $0x1  }
0x28d: {  	v59 =	vmul.f32 v6, v6;
	v3 =	vsub.f32 v3, v4;
	v5 =	vmul.f32 v2, v2;
	_ =	sdelay $0x1  }
0x28e: {  	v60 =	vmul.f32 v3, v3;
	v4 =	vadd.f32 v5, v59;
	_ =	sdelay $0x1  }
0x28f: {  	v4 =	vadd.f32 v60, v4;
	_ =	sdelay $0x1  }
0x290: {  	v4 =	vadd.f32 $9.999999970e-07, v4;
	_ =	sdelay $0x1  }
0x291: {  	v61 =	vshra.s32 v4, $0x1;
	v62 =	vmul.f32 $5.000000000e-01, v4  }
0x292: {  	v5 =	vsub.s32 $0x5F3759DF, v61  }
0x293: {  	v63 =	vmul.f32 v5, v62;
	_ =	sdelay $0x1  }
0x294: {  	v8 =	vmul.f32 v5, v63;
	_ =	sdelay $0x1  }
0x295: {  	v8 =	vsub.f32 $1.500000000e+00, v8;
	_ =	sdelay $0x1  }
0x296: {  	v5 =	vmul.f32 v5, v8;
	_ =	sdelay $0x1  }
0x297: {  	v8 =	vmul.f32 v5, v62;
	_ =	sdelay $0x1  }
0x298: {  	v8 =	vmul.f32 v8, v5;
	_ =	sdelay $0x1  }
0x299: {  	v8 =	vsub.f32 $1.500000000e+00, v8;
	_ =	sdelay $0x1  }
0x29a: {  	v5 =	vmul.f32 v8, v5;
	_ =	sdelay $0x1  }
0x29b: {  	v7 =	vmul.f32 v5, v62;
	_ =	sdelay $0x1  }
0x29c: {  	v7 =	vmul.f32 v7, v5;
	_ =	sdelay $0x1  }
0x29d: {  	v7 =	vsub.f32 $1.500000000e+00, v7;
	_ =	sdelay $0x1  }
0x29e: {  	v5 =	vmul.f32 v7, v5;
	_ =	sdelay $0x1  }
0x29f: {  	v4 =	vmul.f32 v5, v4;
	_ =	sdelay $0x1  }
0x2a0: {  	v5 =	vadd.f32 $1.000000000e+00, v4;
	_ =	sdelay $0x1  }
0x2a1: {  	(erf) = vrcp.f32 v5;
	_ =	sdelay $0x8  }
0x2a2: {  	v5 =	vpop (erf)  }
0x2a3: {  	v6 =	vmul.f32 v5, v6  }
0x2a4: {  	s24 =	sadd.s32 $0x10, s12;
	v3 =	vmul.f32 v5, v3  }
0x2a5: {  	v2 =	vmul.f32 v5, v2;
	[tilespmem:s24+$0xFFFFFF00] =	vst v6  }
0x2a6: {  	[tilespmem:s24+$0x0] =	vst v3  }
0x2a7: {  	s10 =	sadd.s32 $0x10, s10;
	[tilespmem:s24+$0xFFFFFF80] =	vst v2  }
0x2a8: {  	s25 =	rddreg [dreg:$0x8];
	[tilespmem:s10+$0x0] =	vst v4  }
0x2a9: {  	[hbm4b:s25+s5] =	stream.linear.scatter [tilespmem:s29], [sflag:$0x5], $0x200, $0x38;
	[tilespmem:$0xFD00] =	vst v63  }
0x2aa: {  	_ =	swait.ge [sflag:s15], $0x200  }
0x2ab: {  	[sflag:s15] =	ssyncset.done $0x0  }
.Ltmp8:
0x2ac: {  	s26 =	rddreg [dreg:$0x9];
	[sflag:s15] =	ssyncadd.s32 $0xFFFFFE00;
	(pc) =	sbr.rel .LBB2_13-.Ltmp8, $4  }
0x2ad: {  	[hbm4b:s26+s5] =	stream.linear.scatter [tilespmem:s30], [sflag:$0x5], $0x80, $0x38;
	[tilespmem:$0xFD00] =	vst v63  }
0x2ae: {  	_ =	swait.ge [sflag:s15], $0x80  }
0x2af: {  	[sflag:s15] =	ssyncset.done $0x0  }
0x2b0: {  	s10 =	rddreg [dreg:$0xb];
	[sflag:s15] =	ssyncadd.s32 $0xFFFFFF80  }
.LBB2_14:
0x2b1: {  	_ =	sfence.sel $0x180000  }
0x2b2: {  	[bflag:$0x0] =	sbarrier.arrive $0xFFFF  }
0x2b3: {  	_ =	strace $0x90000047  }
0x2b4: {  	s0 =	stileid.u32;
	[bflag:$0x2] =	sbarrier.arrive $0xFFFF  }
0x2b5: {  	p0 =	sne.s32 s0, $0x0;
	s0 =	rddreg [dreg:$0x4]  }
0x2b6: {  	s0 =	sadd.s32 @!p0 $0x100000, s0  }
0x2b7: {  	[sflag:s0] =	ssyncadd.tile.s32 @!p0 $0x1;
	_ =	shalt  }
.Lfunc_end2:
_tile_overlayer_lowered:
.L_overlay_start_2:
0x2b8: {  	(tag) =	ssettag $0x2  }
0x2b9: {  	s0 =	rddreg [dreg:$0x0];
	s2 =	stileid.u32  }
0x2ba: {  	s1 =	rddreg [dreg:$0x1];
	p0 =	sne.s32 s2, $0x0  }
0x2bb: {  	s3 =	rddreg [dreg:$0x2];
	[bflag:$0x3] =	sbarrier.arrive $0xFFFF;
	s2 =	simm.s32 @!p0 $0x1C05  }
0x2bc: {  	[timem:s3], [sflag:s2] =	dma.local @!p0 [hbm:s0], s1  }
0x2bd: {  	s0 =	simm.s32 @!p0 $0x5  }
0x2be: {  	_ =	swait.ge @!p0 [sflag:s0], s1  }
0x2bf: {  	s1 =	ssub.s32 @!p0 $0x0, s1;
	[sflag:s0] =	ssyncset.done @!p0 $0x0  }
0x2c0: {  	[sflag:s0] =	ssyncadd.s32 @!p0 s1  }
0x2c1: {  	[bflag:$0x3] =	sbarrier.arrive $0xFFFF  }
0x2c2: {  	_ =	shalt  }

</sc_bundles>
